<compile_context>
chip_gen: v7x
topology: tpu7x:2x2x1
jax: 0.10.2.dev20260603
libtpu: 0.0.44.dev20260713+nightly
codegen_flags: <defaults>
</compile_context>

<pallas_src>
import functools

import jax
import jax.numpy as jnp
from jax import lax
from jax.experimental import pallas as pl
from jax.experimental.pallas import tpu as pltpu
from jax.experimental.pallas import tpu_sc as plsc

_MAX_LEN = 8000
_NUM_WORKERS = 32
_CHUNK_ROWS = 40
_N_BUFS = 3


def _make_sc_lookup(n_rows: int, d: int, row_start: int):
    rows_per_w = (n_rows + _NUM_WORKERS - 1) // _NUM_WORKERS
    shift = row_start % 8
    assert rows_per_w % 8 == 0 and 0 < shift
    n_chunks = (rows_per_w + shift + _CHUNK_ROWS - 1) // _CHUNK_ROWS

    spans = []
    for c in range(n_chunks):
        j0 = max(0, c * _CHUNK_ROWS - shift)
        j1 = min(rows_per_w - 1, (c + 1) * _CHUNK_ROWS - 1 - shift)
        spans.append((j0 - (c * _CHUNK_ROWS - shift), j0, j1 - j0 + 1))
    tail_drop = _NUM_WORKERS * rows_per_w - n_rows

    mesh = plsc.VectorSubcoreMesh(core_axis_name="c", subcore_axis_name="s")

    @functools.partial(
        pl.kernel,
        out_type=jax.ShapeDtypeStruct((n_rows, 1, d), jnp.float32),
        mesh=mesh,
        scratch_types=(
            [pltpu.VMEM((_CHUNK_ROWS, 1, d), jnp.float32)] * _N_BUFS
            + [pltpu.SemaphoreType.DMA] * (2 * _N_BUFS)
        ),
    )
    def sc_lookup(table_hbm, out_hbm, *scratch):
        bufs = scratch[:_N_BUFS]
        sin = scratch[_N_BUFS : 2 * _N_BUFS]
        sout = scratch[2 * _N_BUFS :]
        wid = lax.axis_index("s") * 2 + lax.axis_index("c")
        base = wid * rows_per_w
        a0 = (row_start - shift) + base
        last = _NUM_WORKERS - 1

        def load(c):
            b = c % _N_BUFS
            cp = pltpu.make_async_copy(
                table_hbm.at[
                    pl.ds(pl.multiple_of(a0 + c * _CHUNK_ROWS, 8), _CHUNK_ROWS), :
                ],
                bufs[b].at[:, 0, :],
                sin[b],
            )
            cp.start()
            return cp

        def store(c):
            b = c % _N_BUFS
            ell, j0, k = spans[c]

            def fire(kk):
                pltpu.make_async_copy(
                    bufs[b].at[pl.ds(ell, kk), :, :],
                    out_hbm.at[pl.ds(base + j0, kk), :, :],
                    sout[b],
                ).start()

            if c == n_chunks - 1 and tail_drop:
                pl.when(wid < last)(lambda: fire(k))
                pl.when(wid == last)(lambda: fire(k - tail_drop))
            else:
                fire(k)

        def store_wait(c):
            b = c % _N_BUFS
            ell, j0, k = spans[c]

            def drain(kk):
                pltpu.make_async_copy(
                    bufs[b].at[pl.ds(0, kk), :, :],
                    out_hbm.at[pl.ds(0, kk), :, :],
                    sout[b],
                ).wait()

            if c == n_chunks - 1 and tail_drop:
                pl.when(wid < last)(lambda: drain(k))
                pl.when(wid == last)(lambda: drain(k - tail_drop))
            else:
                drain(k)

        loads = {}
        for c in range(min(_N_BUFS - 1, n_chunks)):
            loads[c] = load(c)
        for c in range(n_chunks):
            loads[c].wait()
            nxt = c + _N_BUFS - 1
            if nxt < n_chunks:
                if c >= 1:
                    store_wait(c - 1)
                loads[nxt] = load(nxt)
            store(c)
        for c in range(max(0, n_chunks - _N_BUFS), n_chunks):
            store_wait(c)

    return sc_lookup


def kernel(x, rel_pos_emb):
    seq_len = x.shape[1]
    d = rel_pos_emb.shape[1]
    n_rows = 2 * seq_len - 1
    row_start = _MAX_LEN - seq_len + 1

    return _make_sc_lookup(n_rows, d, row_start)(rel_pos_emb)

# --- scband reference (transcript-rebuilt; emitter-appended) ---
"""Pipeline reference for scband-relative-position-encoding-38276748542353 (READ-ONLY COPY).

The authoritative reference and input builder live on the scoring server;
editing this copy changes nothing except your own understanding.
"""

import jax, jax.numpy as jnp
import numpy as np

D_MODEL = 1024
MAX_LEN = 8000


def setup_inputs(seed: int = 0) -> dict:
    key = jax.random.key(seed)
    k1, k2 = jax.random.split(key)
    x = jax.random.normal(k1, (2, 4096, D_MODEL), dtype=jnp.float32)
    rel_pos_emb = jax.random.normal(k2, (MAX_LEN * 2, D_MODEL), dtype=jnp.float32) * 0.02
    return {"x": x, "rel_pos_emb": rel_pos_emb}


def reference(x, rel_pos_emb):
    # Faithful translation of RelativePositionEncoding.forward
    seq_len = x.shape[1]
    pos = jnp.arange(-seq_len + 1, seq_len, dtype=jnp.int32)[:, None]  # [2*seq_len-1, 1]
    idx = pos + MAX_LEN
    pos_emb = jnp.take(rel_pos_emb, idx, axis=0)  # [2*seq_len-1, 1, d_model]
    return pos_emb

if __name__ == "__main__":
    import jax
    _d = setup_inputs()
    print(jax.jit(kernel)(*tuple(_d.values())))

</pallas_src>

<mosaic_0001>
#map = affine_map<(d0, d1) -> (0, 0)>
#map1 = affine_map<(d0, d1) -> (0, 0, 0)>
module attributes {stable_mosaic.version = 14 : i64} {
  func.func @sc_lookup(%arg0: i32, %arg1: i32, %arg2: memref<16000x1024xf32, #tpu.memory_space<hbm>>, %arg3: memref<8191x1x1024xf32, #tpu.memory_space<hbm>>, %arg4: memref<40x1x1024xf32, #tpu.memory_space<vmem>>, %arg5: memref<40x1x1024xf32, #tpu.memory_space<vmem>>, %arg6: memref<40x1x1024xf32, #tpu.memory_space<vmem>>, %arg7: memref<!tpu.dma_semaphore, #tpu.memory_space<semaphore_mem>>, %arg8: memref<!tpu.dma_semaphore, #tpu.memory_space<semaphore_mem>>, %arg9: memref<!tpu.dma_semaphore, #tpu.memory_space<semaphore_mem>>, %arg10: memref<!tpu.dma_semaphore, #tpu.memory_space<semaphore_mem>>, %arg11: memref<!tpu.dma_semaphore, #tpu.memory_space<semaphore_mem>>, %arg12: memref<!tpu.dma_semaphore, #tpu.memory_space<semaphore_mem>>) attributes {dimension_semantics = [#tpu.dimension_semantics<core_parallel>, #tpu.dimension_semantics<subcore_parallel>], iteration_bounds = array<i64: 2, 16>, scalar_prefetch = 0 : i64, scratch_operands = 9 : i64, tpu.core_type = #tpu.core_type<sc_vector_subcore>, window_params = [{transform_indices = #map}, {transform_indices = #map1}]} {
    %mul3A = arith.constant 2 : i32
    %mul3A_0 = arith.muli %arg1, %mul3A : i32
    %add3A = arith.addi %mul3A_0, %arg0 : i32
    %mul3A_1 = arith.constant 256 : i32
    %mul3A_2 = arith.muli %add3A, %mul3A_1 : i32
    %add3A_3 = arith.constant 3904 : i32
    %add3A_4 = arith.addi %add3A_3, %mul3A_2 : i32
    %add3A_5 = arith.constant 0 : i32
    %add3A_6 = arith.addi %add3A_4, %add3A_5 : i32
    %multiple_of3A = tpu.assume_multiple %add3A_6, 8 : i32
    %dma_start3A = arith.constant 0 : i32
    %dma_start3A_7 = arith.constant 0 : i32
    %dma_start3A_8 = arith.constant 0 : i32
    %dma_start3A_9 = tpu.memref_slice %arg4[%dma_start3A_7, %dma_start3A, %dma_start3A_8] : memref<40x1x1024xf32, #tpu.memory_space<vmem>> -> memref<40x1x1024xf32, #tpu.memory_space<vmem>>
    %dma_start3A_10 = tpu.memref_squeeze %dma_start3A_9 : memref<40x1x1024xf32, #tpu.memory_space<vmem>> -> memref<40x1024xf32, #tpu.memory_space<vmem>>
    %dma_start3A_11 = arith.constant 0 : i32
    %dma_start3A_12 = tpu.memref_slice %arg2[%multiple_of3A, %dma_start3A_11] : memref<16000x1024xf32, #tpu.memory_space<hbm>> -> memref<40x1024xf32, #tpu.memory_space<hbm>>
    %dma_start3A_13 = arith.constant 0 : i32
    %dma_start3A_14 = arith.constant 0 : i32
    %dma_start3A_15 = tpu.memref_slice %arg4[%dma_start3A_13, %dma_start3A, %dma_start3A_14] : memref<40x1x1024xf32, #tpu.memory_space<vmem>> -> memref<40x1x1024xf32, #tpu.memory_space<vmem>>
    %dma_start3A_16 = tpu.memref_squeeze %dma_start3A_15 : memref<40x1x1024xf32, #tpu.memory_space<vmem>> -> memref<40x1024xf32, #tpu.memory_space<vmem>>
    %dma_start3A_17 = arith.constant 0 : i32
    %dma_start3A_18 = tpu.memref_slice %arg2[%multiple_of3A, %dma_start3A_17] : memref<16000x1024xf32, #tpu.memory_space<hbm>> -> memref<40x1024xf32, #tpu.memory_space<hbm>>
    tpu.enqueue_dma source(%dma_start3A_18 : memref<40x1024xf32, #tpu.memory_space<hbm>>) target(%dma_start3A_16 : memref<40x1024xf32, #tpu.memory_space<vmem>>) target_semaphore(%arg7 : memref<!tpu.dma_semaphore, #tpu.memory_space<semaphore_mem>>)
    %add3A_19 = arith.constant 40 : i32
    %add3A_20 = arith.addi %add3A_4, %add3A_19 : i32
    %multiple_of3A_21 = tpu.assume_multiple %add3A_20, 8 : i32
    %dma_start3A_22 = arith.constant 0 : i32
    %dma_start3A_23 = arith.constant 0 : i32
    %dma_start3A_24 = arith.constant 0 : i32
    %dma_start3A_25 = tpu.memref_slice %arg5[%dma_start3A_23, %dma_start3A_22, %dma_start3A_24] : memref<40x1x1024xf32, #tpu.memory_space<vmem>> -> memref<40x1x1024xf32, #tpu.memory_space<vmem>>
    %dma_start3A_26 = tpu.memref_squeeze %dma_start3A_25 : memref<40x1x1024xf32, #tpu.memory_space<vmem>> -> memref<40x1024xf32, #tpu.memory_space<vmem>>
    %dma_start3A_27 = arith.constant 0 : i32
    %dma_start3A_28 = tpu.memref_slice %arg2[%multiple_of3A_21, %dma_start3A_27] : memref<16000x1024xf32, #tpu.memory_space<hbm>> -> memref<40x1024xf32, #tpu.memory_space<hbm>>
    %dma_start3A_29 = arith.constant 0 : i32
    %dma_start3A_30 = arith.constant 0 : i32
    %dma_start3A_31 = tpu.memref_slice %arg5[%dma_start3A_29, %dma_start3A_22, %dma_start3A_30] : memref<40x1x1024xf32, #tpu.memory_space<vmem>> -> memref<40x1x1024xf32, #tpu.memory_space<vmem>>
    %dma_start3A_32 = tpu.memref_squeeze %dma_start3A_31 : memref<40x1x1024xf32, #tpu.memory_space<vmem>> -> memref<40x1024xf32, #tpu.memory_space<vmem>>
    %dma_start3A_33 = arith.constant 0 : i32
    %dma_start3A_34 = tpu.memref_slice %arg2[%multiple_of3A_21, %dma_start3A_33] : memref<16000x1024xf32, #tpu.memory_space<hbm>> -> memref<40x1024xf32, #tpu.memory_space<hbm>>
    tpu.enqueue_dma source(%dma_start3A_34 : memref<40x1024xf32, #tpu.memory_space<hbm>>) target(%dma_start3A_32 : memref<40x1024xf32, #tpu.memory_space<vmem>>) target_semaphore(%arg8 : memref<!tpu.dma_semaphore, #tpu.memory_space<semaphore_mem>>)
    %dma_wait3A = arith.constant 0 : i32
    %dma_wait3A_35 = arith.constant 0 : i32
    %dma_wait3A_36 = arith.constant 0 : i32
    %dma_wait3A_37 = tpu.memref_slice %arg4[%dma_wait3A_35, %dma_wait3A, %dma_wait3A_36] : memref<40x1x1024xf32, #tpu.memory_space<vmem>> -> memref<40x1x1024xf32, #tpu.memory_space<vmem>>
    %dma_wait3A_38 = tpu.memref_squeeze %dma_wait3A_37 : memref<40x1x1024xf32, #tpu.memory_space<vmem>> -> memref<40x1024xf32, #tpu.memory_space<vmem>>
    %dma_wait3A_39 = arith.constant 0 : i32
    %dma_wait3A_40 = tpu.memref_slice %arg2[%multiple_of3A, %dma_wait3A_39] : memref<16000x1024xf32, #tpu.memory_space<hbm>> -> memref<40x1024xf32, #tpu.memory_space<hbm>>
    %dma_wait3A_41 = arith.constant 0 : i32
    %dma_wait3A_42 = arith.constant 0 : i32
    %dma_wait3A_43 = tpu.memref_slice %arg4[%dma_wait3A_41, %dma_wait3A, %dma_wait3A_42] : memref<40x1x1024xf32, #tpu.memory_space<vmem>> -> memref<40x1x1024xf32, #tpu.memory_space<vmem>>
    %dma_wait3A_44 = tpu.memref_squeeze %dma_wait3A_43 : memref<40x1x1024xf32, #tpu.memory_space<vmem>> -> memref<40x1024xf32, #tpu.memory_space<vmem>>
    %dma_wait3A_45 = arith.constant 0 : i32
    %dma_wait3A_46 = tpu.memref_slice %arg2[%multiple_of3A, %dma_wait3A_45] : memref<16000x1024xf32, #tpu.memory_space<hbm>> -> memref<40x1024xf32, #tpu.memory_space<hbm>>
    tpu.wait_dma2 semaphore(%arg7 : memref<!tpu.dma_semaphore, #tpu.memory_space<semaphore_mem>>) src(%dma_wait3A_46 : memref<40x1024xf32, #tpu.memory_space<hbm>>) dst(%dma_wait3A_44 : memref<40x1024xf32, #tpu.memory_space<vmem>>)
    %add3A_47 = arith.constant 80 : i32
    %add3A_48 = arith.addi %add3A_4, %add3A_47 : i32
    %multiple_of3A_49 = tpu.assume_multiple %add3A_48, 8 : i32
    %dma_start3A_50 = arith.constant 0 : i32
    %dma_start3A_51 = arith.constant 0 : i32
    %dma_start3A_52 = arith.constant 0 : i32
    %dma_start3A_53 = tpu.memref_slice %arg6[%dma_start3A_51, %dma_start3A_50, %dma_start3A_52] : memref<40x1x1024xf32, #tpu.memory_space<vmem>> -> memref<40x1x1024xf32, #tpu.memory_space<vmem>>
    %dma_start3A_54 = tpu.memref_squeeze %dma_start3A_53 : memref<40x1x1024xf32, #tpu.memory_space<vmem>> -> memref<40x1024xf32, #tpu.memory_space<vmem>>
    %dma_start3A_55 = arith.constant 0 : i32
    %dma_start3A_56 = tpu.memref_slice %arg2[%multiple_of3A_49, %dma_start3A_55] : memref<16000x1024xf32, #tpu.memory_space<hbm>> -> memref<40x1024xf32, #tpu.memory_space<hbm>>
    %dma_start3A_57 = arith.constant 0 : i32
    %dma_start3A_58 = arith.constant 0 : i32
    %dma_start3A_59 = tpu.memref_slice %arg6[%dma_start3A_57, %dma_start3A_50, %dma_start3A_58] : memref<40x1x1024xf32, #tpu.memory_space<vmem>> -> memref<40x1x1024xf32, #tpu.memory_space<vmem>>
    %dma_start3A_60 = tpu.memref_squeeze %dma_start3A_59 : memref<40x1x1024xf32, #tpu.memory_space<vmem>> -> memref<40x1024xf32, #tpu.memory_space<vmem>>
    %dma_start3A_61 = arith.constant 0 : i32
    %dma_start3A_62 = tpu.memref_slice %arg2[%multiple_of3A_49, %dma_start3A_61] : memref<16000x1024xf32, #tpu.memory_space<hbm>> -> memref<40x1024xf32, #tpu.memory_space<hbm>>
    tpu.enqueue_dma source(%dma_start3A_62 : memref<40x1024xf32, #tpu.memory_space<hbm>>) target(%dma_start3A_60 : memref<40x1024xf32, #tpu.memory_space<vmem>>) target_semaphore(%arg9 : memref<!tpu.dma_semaphore, #tpu.memory_space<semaphore_mem>>)
    %add3A_63 = arith.constant 0 : i32
    %add3A_64 = arith.addi %mul3A_2, %add3A_63 : i32
    %dma_start3A_65 = arith.constant 1 : i32
    %dma_start3A_66 = arith.constant 0 : i32
    %dma_start3A_67 = arith.constant 0 : i32
    %dma_start3A_68 = tpu.memref_slice %arg4[%dma_start3A_65, %dma_start3A_66, %dma_start3A_67] : memref<40x1x1024xf32, #tpu.memory_space<vmem>> -> memref<39x1x1024xf32, #tpu.memory_space<vmem>>
    %dma_start3A_69 = arith.constant 0 : i32
    %dma_start3A_70 = arith.constant 0 : i32
    %dma_start3A_71 = tpu.memref_slice %arg3[%add3A_64, %dma_start3A_69, %dma_start3A_70] : memref<8191x1x1024xf32, #tpu.memory_space<hbm>> -> memref<39x1x1024xf32, #tpu.memory_space<hbm>>
    %dma_start3A_72 = arith.constant 0 : i32
    %dma_start3A_73 = arith.constant 0 : i32
    %dma_start3A_74 = tpu.memref_slice %arg3[%add3A_64, %dma_start3A_72, %dma_start3A_73] : memref<8191x1x1024xf32, #tpu.memory_space<hbm>> -> memref<39x1x1024xf32, #tpu.memory_space<hbm>>
    %dma_start3A_75 = arith.constant 1 : i32
    %dma_start3A_76 = arith.constant 0 : i32
    %dma_start3A_77 = arith.constant 0 : i32
    %dma_start3A_78 = tpu.memref_slice %arg4[%dma_start3A_75, %dma_start3A_76, %dma_start3A_77] : memref<40x1x1024xf32, #tpu.memory_space<vmem>> -> memref<39x1x1024xf32, #tpu.memory_space<vmem>>
    tpu.enqueue_dma source(%dma_start3A_78 : memref<39x1x1024xf32, #tpu.memory_space<vmem>>) target(%dma_start3A_74 : memref<39x1x1024xf32, #tpu.memory_space<hbm>>) target_semaphore(%arg10 : memref<!tpu.dma_semaphore, #tpu.memory_space<semaphore_mem>>)
    %dma_wait3A_79 = arith.constant 0 : i32
    %dma_wait3A_80 = arith.constant 0 : i32
    %dma_wait3A_81 = arith.constant 0 : i32
    %dma_wait3A_82 = tpu.memref_slice %arg5[%dma_wait3A_80, %dma_wait3A_79, %dma_wait3A_81] : memref<40x1x1024xf32, #tpu.memory_space<vmem>> -> memref<40x1x1024xf32, #tpu.memory_space<vmem>>
    %dma_wait3A_83 = tpu.memref_squeeze %dma_wait3A_82 : memref<40x1x1024xf32, #tpu.memory_space<vmem>> -> memref<40x1024xf32, #tpu.memory_space<vmem>>
    %dma_wait3A_84 = arith.constant 0 : i32
    %dma_wait3A_85 = tpu.memref_slice %arg2[%multiple_of3A_21, %dma_wait3A_84] : memref<16000x1024xf32, #tpu.memory_space<hbm>> -> memref<40x1024xf32, #tpu.memory_space<hbm>>
    %dma_wait3A_86 = arith.constant 0 : i32
    %dma_wait3A_87 = arith.constant 0 : i32
    %dma_wait3A_88 = tpu.memref_slice %arg5[%dma_wait3A_86, %dma_wait3A_79, %dma_wait3A_87] : memref<40x1x1024xf32, #tpu.memory_space<vmem>> -> memref<40x1x1024xf32, #tpu.memory_space<vmem>>
    %dma_wait3A_89 = tpu.memref_squeeze %dma_wait3A_88 : memref<40x1x1024xf32, #tpu.memory_space<vmem>> -> memref<40x1024xf32, #tpu.memory_space<vmem>>
    %dma_wait3A_90 = arith.constant 0 : i32
    %dma_wait3A_91 = tpu.memref_slice %arg2[%multiple_of3A_21, %dma_wait3A_90] : memref<16000x1024xf32, #tpu.memory_space<hbm>> -> memref<40x1024xf32, #tpu.memory_space<hbm>>
    tpu.wait_dma2 semaphore(%arg8 : memref<!tpu.dma_semaphore, #tpu.memory_space<semaphore_mem>>) src(%dma_wait3A_91 : memref<40x1024xf32, #tpu.memory_space<hbm>>) dst(%dma_wait3A_89 : memref<40x1024xf32, #tpu.memory_space<vmem>>)
    %dma_wait3A_92 = arith.constant 0 : i32
    %dma_wait3A_93 = arith.constant 0 : i32
    %dma_wait3A_94 = arith.constant 0 : i32
    %dma_wait3A_95 = tpu.memref_slice %arg4[%dma_wait3A_92, %dma_wait3A_93, %dma_wait3A_94] : memref<40x1x1024xf32, #tpu.memory_space<vmem>> -> memref<39x1x1024xf32, #tpu.memory_space<vmem>>
    %dma_wait3A_96 = arith.constant 0 : i32
    %dma_wait3A_97 = arith.constant 0 : i32
    %dma_wait3A_98 = arith.constant 0 : i32
    %dma_wait3A_99 = tpu.memref_slice %arg3[%dma_wait3A_96, %dma_wait3A_97, %dma_wait3A_98] : memref<8191x1x1024xf32, #tpu.memory_space<hbm>> -> memref<39x1x1024xf32, #tpu.memory_space<hbm>>
    %dma_wait3A_100 = arith.constant 0 : i32
    %dma_wait3A_101 = arith.constant 0 : i32
    %dma_wait3A_102 = arith.constant 0 : i32
    %dma_wait3A_103 = tpu.memref_slice %arg3[%dma_wait3A_100, %dma_wait3A_101, %dma_wait3A_102] : memref<8191x1x1024xf32, #tpu.memory_space<hbm>> -> memref<39x1x1024xf32, #tpu.memory_space<hbm>>
    %dma_wait3A_104 = arith.constant 0 : i32
    %dma_wait3A_105 = arith.constant 0 : i32
    %dma_wait3A_106 = arith.constant 0 : i32
    %dma_wait3A_107 = tpu.memref_slice %arg4[%dma_wait3A_104, %dma_wait3A_105, %dma_wait3A_106] : memref<40x1x1024xf32, #tpu.memory_space<vmem>> -> memref<39x1x1024xf32, #tpu.memory_space<vmem>>
    tpu.wait_dma2 semaphore(%arg10 : memref<!tpu.dma_semaphore, #tpu.memory_space<semaphore_mem>>) src(%dma_wait3A_107 : memref<39x1x1024xf32, #tpu.memory_space<vmem>>) dst(%dma_wait3A_103 : memref<39x1x1024xf32, #tpu.memory_space<hbm>>)
    %add3A_108 = arith.constant 120 : i32
    %add3A_109 = arith.addi %add3A_4, %add3A_108 : i32
    %multiple_of3A_110 = tpu.assume_multiple %add3A_109, 8 : i32
    %dma_start3A_111 = arith.constant 0 : i32
    %dma_start3A_112 = arith.constant 0 : i32
    %dma_start3A_113 = arith.constant 0 : i32
    %dma_start3A_114 = tpu.memref_slice %arg4[%dma_start3A_112, %dma_start3A_111, %dma_start3A_113] : memref<40x1x1024xf32, #tpu.memory_space<vmem>> -> memref<40x1x1024xf32, #tpu.memory_space<vmem>>
    %dma_start3A_115 = tpu.memref_squeeze %dma_start3A_114 : memref<40x1x1024xf32, #tpu.memory_space<vmem>> -> memref<40x1024xf32, #tpu.memory_space<vmem>>
    %dma_start3A_116 = arith.constant 0 : i32
    %dma_start3A_117 = tpu.memref_slice %arg2[%multiple_of3A_110, %dma_start3A_116] : memref<16000x1024xf32, #tpu.memory_space<hbm>> -> memref<40x1024xf32, #tpu.memory_space<hbm>>
    %dma_start3A_118 = arith.constant 0 : i32
    %dma_start3A_119 = arith.constant 0 : i32
    %dma_start3A_120 = tpu.memref_slice %arg4[%dma_start3A_118, %dma_start3A_111, %dma_start3A_119] : memref<40x1x1024xf32, #tpu.memory_space<vmem>> -> memref<40x1x1024xf32, #tpu.memory_space<vmem>>
    %dma_start3A_121 = tpu.memref_squeeze %dma_start3A_120 : memref<40x1x1024xf32, #tpu.memory_space<vmem>> -> memref<40x1024xf32, #tpu.memory_space<vmem>>
    %dma_start3A_122 = arith.constant 0 : i32
    %dma_start3A_123 = tpu.memref_slice %arg2[%multiple_of3A_110, %dma_start3A_122] : memref<16000x1024xf32, #tpu.memory_space<hbm>> -> memref<40x1024xf32, #tpu.memory_space<hbm>>
    tpu.enqueue_dma source(%dma_start3A_123 : memref<40x1024xf32, #tpu.memory_space<hbm>>) target(%dma_start3A_121 : memref<40x1024xf32, #tpu.memory_space<vmem>>) target_semaphore(%arg7 : memref<!tpu.dma_semaphore, #tpu.memory_space<semaphore_mem>>)
    %add3A_124 = arith.constant 39 : i32
    %add3A_125 = arith.addi %mul3A_2, %add3A_124 : i32
    %dma_start3A_126 = arith.constant 0 : i32
    %dma_start3A_127 = arith.constant 0 : i32
    %dma_start3A_128 = arith.constant 0 : i32
    %dma_start3A_129 = tpu.memref_slice %arg5[%dma_start3A_126, %dma_start3A_127, %dma_start3A_128] : memref<40x1x1024xf32, #tpu.memory_space<vmem>> -> memref<40x1x1024xf32, #tpu.memory_space<vmem>>
    %dma_start3A_130 = arith.constant 0 : i32
    %dma_start3A_131 = arith.constant 0 : i32
    %dma_start3A_132 = tpu.memref_slice %arg3[%add3A_125, %dma_start3A_130, %dma_start3A_131] : memref<8191x1x1024xf32, #tpu.memory_space<hbm>> -> memref<40x1x1024xf32, #tpu.memory_space<hbm>>
    %dma_start3A_133 = arith.constant 0 : i32
    %dma_start3A_134 = arith.constant 0 : i32
    %dma_start3A_135 = tpu.memref_slice %arg3[%add3A_125, %dma_start3A_133, %dma_start3A_134] : memref<8191x1x1024xf32, #tpu.memory_space<hbm>> -> memref<40x1x1024xf32, #tpu.memory_space<hbm>>
    %dma_start3A_136 = arith.constant 0 : i32
    %dma_start3A_137 = arith.constant 0 : i32
    %dma_start3A_138 = arith.constant 0 : i32
    %dma_start3A_139 = tpu.memref_slice %arg5[%dma_start3A_136, %dma_start3A_137, %dma_start3A_138] : memref<40x1x1024xf32, #tpu.memory_space<vmem>> -> memref<40x1x1024xf32, #tpu.memory_space<vmem>>
    tpu.enqueue_dma source(%dma_start3A_139 : memref<40x1x1024xf32, #tpu.memory_space<vmem>>) target(%dma_start3A_135 : memref<40x1x1024xf32, #tpu.memory_space<hbm>>) target_semaphore(%arg11 : memref<!tpu.dma_semaphore, #tpu.memory_space<semaphore_mem>>)
    %dma_wait3A_140 = arith.constant 0 : i32
    %dma_wait3A_141 = arith.constant 0 : i32
    %dma_wait3A_142 = arith.constant 0 : i32
    %dma_wait3A_143 = tpu.memref_slice %arg6[%dma_wait3A_141, %dma_wait3A_140, %dma_wait3A_142] : memref<40x1x1024xf32, #tpu.memory_space<vmem>> -> memref<40x1x1024xf32, #tpu.memory_space<vmem>>
    %dma_wait3A_144 = tpu.memref_squeeze %dma_wait3A_143 : memref<40x1x1024xf32, #tpu.memory_space<vmem>> -> memref<40x1024xf32, #tpu.memory_space<vmem>>
    %dma_wait3A_145 = arith.constant 0 : i32
    %dma_wait3A_146 = tpu.memref_slice %arg2[%multiple_of3A_49, %dma_wait3A_145] : memref<16000x1024xf32, #tpu.memory_space<hbm>> -> memref<40x1024xf32, #tpu.memory_space<hbm>>
    %dma_wait3A_147 = arith.constant 0 : i32
    %dma_wait3A_148 = arith.constant 0 : i32
    %dma_wait3A_149 = tpu.memref_slice %arg6[%dma_wait3A_147, %dma_wait3A_140, %dma_wait3A_148] : memref<40x1x1024xf32, #tpu.memory_space<vmem>> -> memref<40x1x1024xf32, #tpu.memory_space<vmem>>
    %dma_wait3A_150 = tpu.memref_squeeze %dma_wait3A_149 : memref<40x1x1024xf32, #tpu.memory_space<vmem>> -> memref<40x1024xf32, #tpu.memory_space<vmem>>
    %dma_wait3A_151 = arith.constant 0 : i32
    %dma_wait3A_152 = tpu.memref_slice %arg2[%multiple_of3A_49, %dma_wait3A_151] : memref<16000x1024xf32, #tpu.memory_space<hbm>> -> memref<40x1024xf32, #tpu.memory_space<hbm>>
    tpu.wait_dma2 semaphore(%arg9 : memref<!tpu.dma_semaphore, #tpu.memory_space<semaphore_mem>>) src(%dma_wait3A_152 : memref<40x1024xf32, #tpu.memory_space<hbm>>) dst(%dma_wait3A_150 : memref<40x1024xf32, #tpu.memory_space<vmem>>)
    %dma_wait3A_153 = arith.constant 0 : i32
    %dma_wait3A_154 = arith.constant 0 : i32
    %dma_wait3A_155 = arith.constant 0 : i32
    %dma_wait3A_156 = tpu.memref_slice %arg5[%dma_wait3A_153, %dma_wait3A_154, %dma_wait3A_155] : memref<40x1x1024xf32, #tpu.memory_space<vmem>> -> memref<40x1x1024xf32, #tpu.memory_space<vmem>>
    %dma_wait3A_157 = arith.constant 0 : i32
    %dma_wait3A_158 = arith.constant 0 : i32
    %dma_wait3A_159 = arith.constant 0 : i32
    %dma_wait3A_160 = tpu.memref_slice %arg3[%dma_wait3A_157, %dma_wait3A_158, %dma_wait3A_159] : memref<8191x1x1024xf32, #tpu.memory_space<hbm>> -> memref<40x1x1024xf32, #tpu.memory_space<hbm>>
    %dma_wait3A_161 = arith.constant 0 : i32
    %dma_wait3A_162 = arith.constant 0 : i32
    %dma_wait3A_163 = arith.constant 0 : i32
    %dma_wait3A_164 = tpu.memref_slice %arg3[%dma_wait3A_161, %dma_wait3A_162, %dma_wait3A_163] : memref<8191x1x1024xf32, #tpu.memory_space<hbm>> -> memref<40x1x1024xf32, #tpu.memory_space<hbm>>
    %dma_wait3A_165 = arith.constant 0 : i32
    %dma_wait3A_166 = arith.constant 0 : i32
    %dma_wait3A_167 = arith.constant 0 : i32
    %dma_wait3A_168 = tpu.memref_slice %arg5[%dma_wait3A_165, %dma_wait3A_166, %dma_wait3A_167] : memref<40x1x1024xf32, #tpu.memory_space<vmem>> -> memref<40x1x1024xf32, #tpu.memory_space<vmem>>
    tpu.wait_dma2 semaphore(%arg11 : memref<!tpu.dma_semaphore, #tpu.memory_space<semaphore_mem>>) src(%dma_wait3A_168 : memref<40x1x1024xf32, #tpu.memory_space<vmem>>) dst(%dma_wait3A_164 : memref<40x1x1024xf32, #tpu.memory_space<hbm>>)
    %add3A_169 = arith.constant 160 : i32
    %add3A_170 = arith.addi %add3A_4, %add3A_169 : i32
    %multiple_of3A_171 = tpu.assume_multiple %add3A_170, 8 : i32
    %dma_start3A_172 = arith.constant 0 : i32
    %dma_start3A_173 = arith.constant 0 : i32
    %dma_start3A_174 = arith.constant 0 : i32
    %dma_start3A_175 = tpu.memref_slice %arg5[%dma_start3A_173, %dma_start3A_172, %dma_start3A_174] : memref<40x1x1024xf32, #tpu.memory_space<vmem>> -> memref<40x1x1024xf32, #tpu.memory_space<vmem>>
    %dma_start3A_176 = tpu.memref_squeeze %dma_start3A_175 : memref<40x1x1024xf32, #tpu.memory_space<vmem>> -> memref<40x1024xf32, #tpu.memory_space<vmem>>
    %dma_start3A_177 = arith.constant 0 : i32
    %dma_start3A_178 = tpu.memref_slice %arg2[%multiple_of3A_171, %dma_start3A_177] : memref<16000x1024xf32, #tpu.memory_space<hbm>> -> memref<40x1024xf32, #tpu.memory_space<hbm>>
    %dma_start3A_179 = arith.constant 0 : i32
    %dma_start3A_180 = arith.constant 0 : i32
    %dma_start3A_181 = tpu.memref_slice %arg5[%dma_start3A_179, %dma_start3A_172, %dma_start3A_180] : memref<40x1x1024xf32, #tpu.memory_space<vmem>> -> memref<40x1x1024xf32, #tpu.memory_space<vmem>>
    %dma_start3A_182 = tpu.memref_squeeze %dma_start3A_181 : memref<40x1x1024xf32, #tpu.memory_space<vmem>> -> memref<40x1024xf32, #tpu.memory_space<vmem>>
    %dma_start3A_183 = arith.constant 0 : i32
    %dma_start3A_184 = tpu.memref_slice %arg2[%multiple_of3A_171, %dma_start3A_183] : memref<16000x1024xf32, #tpu.memory_space<hbm>> -> memref<40x1024xf32, #tpu.memory_space<hbm>>
    tpu.enqueue_dma source(%dma_start3A_184 : memref<40x1024xf32, #tpu.memory_space<hbm>>) target(%dma_start3A_182 : memref<40x1024xf32, #tpu.memory_space<vmem>>) target_semaphore(%arg8 : memref<!tpu.dma_semaphore, #tpu.memory_space<semaphore_mem>>)
    %add3A_185 = arith.constant 79 : i32
    %add3A_186 = arith.addi %mul3A_2, %add3A_185 : i32
    %dma_start3A_187 = arith.constant 0 : i32
    %dma_start3A_188 = arith.constant 0 : i32
    %dma_start3A_189 = arith.constant 0 : i32
    %dma_start3A_190 = tpu.memref_slice %arg6[%dma_start3A_187, %dma_start3A_188, %dma_start3A_189] : memref<40x1x1024xf32, #tpu.memory_space<vmem>> -> memref<40x1x1024xf32, #tpu.memory_space<vmem>>
    %dma_start3A_191 = arith.constant 0 : i32
    %dma_start3A_192 = arith.constant 0 : i32
    %dma_start3A_193 = tpu.memref_slice %arg3[%add3A_186, %dma_start3A_191, %dma_start3A_192] : memref<8191x1x1024xf32, #tpu.memory_space<hbm>> -> memref<40x1x1024xf32, #tpu.memory_space<hbm>>
    %dma_start3A_194 = arith.constant 0 : i32
    %dma_start3A_195 = arith.constant 0 : i32
    %dma_start3A_196 = tpu.memref_slice %arg3[%add3A_186, %dma_start3A_194, %dma_start3A_195] : memref<8191x1x1024xf32, #tpu.memory_space<hbm>> -> memref<40x1x1024xf32, #tpu.memory_space<hbm>>
    %dma_start3A_197 = arith.constant 0 : i32
    %dma_start3A_198 = arith.constant 0 : i32
    %dma_start3A_199 = arith.constant 0 : i32
    %dma_start3A_200 = tpu.memref_slice %arg6[%dma_start3A_197, %dma_start3A_198, %dma_start3A_199] : memref<40x1x1024xf32, #tpu.memory_space<vmem>> -> memref<40x1x1024xf32, #tpu.memory_space<vmem>>
    tpu.enqueue_dma source(%dma_start3A_200 : memref<40x1x1024xf32, #tpu.memory_space<vmem>>) target(%dma_start3A_196 : memref<40x1x1024xf32, #tpu.memory_space<hbm>>) target_semaphore(%arg12 : memref<!tpu.dma_semaphore, #tpu.memory_space<semaphore_mem>>)
    %dma_wait3A_201 = arith.constant 0 : i32
    %dma_wait3A_202 = arith.constant 0 : i32
    %dma_wait3A_203 = arith.constant 0 : i32
    %dma_wait3A_204 = tpu.memref_slice %arg4[%dma_wait3A_202, %dma_wait3A_201, %dma_wait3A_203] : memref<40x1x1024xf32, #tpu.memory_space<vmem>> -> memref<40x1x1024xf32, #tpu.memory_space<vmem>>
    %dma_wait3A_205 = tpu.memref_squeeze %dma_wait3A_204 : memref<40x1x1024xf32, #tpu.memory_space<vmem>> -> memref<40x1024xf32, #tpu.memory_space<vmem>>
    %dma_wait3A_206 = arith.constant 0 : i32
    %dma_wait3A_207 = tpu.memref_slice %arg2[%multiple_of3A_110, %dma_wait3A_206] : memref<16000x1024xf32, #tpu.memory_space<hbm>> -> memref<40x1024xf32, #tpu.memory_space<hbm>>
    %dma_wait3A_208 = arith.constant 0 : i32
    %dma_wait3A_209 = arith.constant 0 : i32
    %dma_wait3A_210 = tpu.memref_slice %arg4[%dma_wait3A_208, %dma_wait3A_201, %dma_wait3A_209] : memref<40x1x1024xf32, #tpu.memory_space<vmem>> -> memref<40x1x1024xf32, #tpu.memory_space<vmem>>
    %dma_wait3A_211 = tpu.memref_squeeze %dma_wait3A_210 : memref<40x1x1024xf32, #tpu.memory_space<vmem>> -> memref<40x1024xf32, #tpu.memory_space<vmem>>
    %dma_wait3A_212 = arith.constant 0 : i32
    %dma_wait3A_213 = tpu.memref_slice %arg2[%multiple_of3A_110, %dma_wait3A_212] : memref<16000x1024xf32, #tpu.memory_space<hbm>> -> memref<40x1024xf32, #tpu.memory_space<hbm>>
    tpu.wait_dma2 semaphore(%arg7 : memref<!tpu.dma_semaphore, #tpu.memory_space<semaphore_mem>>) src(%dma_wait3A_213 : memref<40x1024xf32, #tpu.memory_space<hbm>>) dst(%dma_wait3A_211 : memref<40x1024xf32, #tpu.memory_space<vmem>>)
    %dma_wait3A_214 = arith.constant 0 : i32
    %dma_wait3A_215 = arith.constant 0 : i32
    %dma_wait3A_216 = arith.constant 0 : i32
    %dma_wait3A_217 = tpu.memref_slice %arg6[%dma_wait3A_214, %dma_wait3A_215, %dma_wait3A_216] : memref<40x1x1024xf32, #tpu.memory_space<vmem>> -> memref<40x1x1024xf32, #tpu.memory_space<vmem>>
    %dma_wait3A_218 = arith.constant 0 : i32
    %dma_wait3A_219 = arith.constant 0 : i32
    %dma_wait3A_220 = arith.constant 0 : i32
    %dma_wait3A_221 = tpu.memref_slice %arg3[%dma_wait3A_218, %dma_wait3A_219, %dma_wait3A_220] : memref<8191x1x1024xf32, #tpu.memory_space<hbm>> -> memref<40x1x1024xf32, #tpu.memory_space<hbm>>
    %dma_wait3A_222 = arith.constant 0 : i32
    %dma_wait3A_223 = arith.constant 0 : i32
    %dma_wait3A_224 = arith.constant 0 : i32
    %dma_wait3A_225 = tpu.memref_slice %arg3[%dma_wait3A_222, %dma_wait3A_223, %dma_wait3A_224] : memref<8191x1x1024xf32, #tpu.memory_space<hbm>> -> memref<40x1x1024xf32, #tpu.memory_space<hbm>>
    %dma_wait3A_226 = arith.constant 0 : i32
    %dma_wait3A_227 = arith.constant 0 : i32
    %dma_wait3A_228 = arith.constant 0 : i32
    %dma_wait3A_229 = tpu.memref_slice %arg6[%dma_wait3A_226, %dma_wait3A_227, %dma_wait3A_228] : memref<40x1x1024xf32, #tpu.memory_space<vmem>> -> memref<40x1x1024xf32, #tpu.memory_space<vmem>>
    tpu.wait_dma2 semaphore(%arg12 : memref<!tpu.dma_semaphore, #tpu.memory_space<semaphore_mem>>) src(%dma_wait3A_229 : memref<40x1x1024xf32, #tpu.memory_space<vmem>>) dst(%dma_wait3A_225 : memref<40x1x1024xf32, #tpu.memory_space<hbm>>)
    %add3A_230 = arith.constant 200 : i32
    %add3A_231 = arith.addi %add3A_4, %add3A_230 : i32
    %multiple_of3A_232 = tpu.assume_multiple %add3A_231, 8 : i32
    %dma_start3A_233 = arith.constant 0 : i32
    %dma_start3A_234 = arith.constant 0 : i32
    %dma_start3A_235 = arith.constant 0 : i32
    %dma_start3A_236 = tpu.memref_slice %arg6[%dma_start3A_234, %dma_start3A_233, %dma_start3A_235] : memref<40x1x1024xf32, #tpu.memory_space<vmem>> -> memref<40x1x1024xf32, #tpu.memory_space<vmem>>
    %dma_start3A_237 = tpu.memref_squeeze %dma_start3A_236 : memref<40x1x1024xf32, #tpu.memory_space<vmem>> -> memref<40x1024xf32, #tpu.memory_space<vmem>>
    %dma_start3A_238 = arith.constant 0 : i32
    %dma_start3A_239 = tpu.memref_slice %arg2[%multiple_of3A_232, %dma_start3A_238] : memref<16000x1024xf32, #tpu.memory_space<hbm>> -> memref<40x1024xf32, #tpu.memory_space<hbm>>
    %dma_start3A_240 = arith.constant 0 : i32
    %dma_start3A_241 = arith.constant 0 : i32
    %dma_start3A_242 = tpu.memref_slice %arg6[%dma_start3A_240, %dma_start3A_233, %dma_start3A_241] : memref<40x1x1024xf32, #tpu.memory_space<vmem>> -> memref<40x1x1024xf32, #tpu.memory_space<vmem>>
    %dma_start3A_243 = tpu.memref_squeeze %dma_start3A_242 : memref<40x1x1024xf32, #tpu.memory_space<vmem>> -> memref<40x1024xf32, #tpu.memory_space<vmem>>
    %dma_start3A_244 = arith.constant 0 : i32
    %dma_start3A_245 = tpu.memref_slice %arg2[%multiple_of3A_232, %dma_start3A_244] : memref<16000x1024xf32, #tpu.memory_space<hbm>> -> memref<40x1024xf32, #tpu.memory_space<hbm>>
    tpu.enqueue_dma source(%dma_start3A_245 : memref<40x1024xf32, #tpu.memory_space<hbm>>) target(%dma_start3A_243 : memref<40x1024xf32, #tpu.memory_space<vmem>>) target_semaphore(%arg9 : memref<!tpu.dma_semaphore, #tpu.memory_space<semaphore_mem>>)
    %add3A_246 = arith.constant 119 : i32
    %add3A_247 = arith.addi %mul3A_2, %add3A_246 : i32
    %dma_start3A_248 = arith.constant 0 : i32
    %dma_start3A_249 = arith.constant 0 : i32
    %dma_start3A_250 = arith.constant 0 : i32
    %dma_start3A_251 = tpu.memref_slice %arg4[%dma_start3A_248, %dma_start3A_249, %dma_start3A_250] : memref<40x1x1024xf32, #tpu.memory_space<vmem>> -> memref<40x1x1024xf32, #tpu.memory_space<vmem>>
    %dma_start3A_252 = arith.constant 0 : i32
    %dma_start3A_253 = arith.constant 0 : i32
    %dma_start3A_254 = tpu.memref_slice %arg3[%add3A_247, %dma_start3A_252, %dma_start3A_253] : memref<8191x1x1024xf32, #tpu.memory_space<hbm>> -> memref<40x1x1024xf32, #tpu.memory_space<hbm>>
    %dma_start3A_255 = arith.constant 0 : i32
    %dma_start3A_256 = arith.constant 0 : i32
    %dma_start3A_257 = tpu.memref_slice %arg3[%add3A_247, %dma_start3A_255, %dma_start3A_256] : memref<8191x1x1024xf32, #tpu.memory_space<hbm>> -> memref<40x1x1024xf32, #tpu.memory_space<hbm>>
    %dma_start3A_258 = arith.constant 0 : i32
    %dma_start3A_259 = arith.constant 0 : i32
    %dma_start3A_260 = arith.constant 0 : i32
    %dma_start3A_261 = tpu.memref_slice %arg4[%dma_start3A_258, %dma_start3A_259, %dma_start3A_260] : memref<40x1x1024xf32, #tpu.memory_space<vmem>> -> memref<40x1x1024xf32, #tpu.memory_space<vmem>>
    tpu.enqueue_dma source(%dma_start3A_261 : memref<40x1x1024xf32, #tpu.memory_space<vmem>>) target(%dma_start3A_257 : memref<40x1x1024xf32, #tpu.memory_space<hbm>>) target_semaphore(%arg10 : memref<!tpu.dma_semaphore, #tpu.memory_space<semaphore_mem>>)
    %dma_wait3A_262 = arith.constant 0 : i32
    %dma_wait3A_263 = arith.constant 0 : i32
    %dma_wait3A_264 = arith.constant 0 : i32
    %dma_wait3A_265 = tpu.memref_slice %arg5[%dma_wait3A_263, %dma_wait3A_262, %dma_wait3A_264] : memref<40x1x1024xf32, #tpu.memory_space<vmem>> -> memref<40x1x1024xf32, #tpu.memory_space<vmem>>
    %dma_wait3A_266 = tpu.memref_squeeze %dma_wait3A_265 : memref<40x1x1024xf32, #tpu.memory_space<vmem>> -> memref<40x1024xf32, #tpu.memory_space<vmem>>
    %dma_wait3A_267 = arith.constant 0 : i32
    %dma_wait3A_268 = tpu.memref_slice %arg2[%multiple_of3A_171, %dma_wait3A_267] : memref<16000x1024xf32, #tpu.memory_space<hbm>> -> memref<40x1024xf32, #tpu.memory_space<hbm>>
    %dma_wait3A_269 = arith.constant 0 : i32
    %dma_wait3A_270 = arith.constant 0 : i32
    %dma_wait3A_271 = tpu.memref_slice %arg5[%dma_wait3A_269, %dma_wait3A_262, %dma_wait3A_270] : memref<40x1x1024xf32, #tpu.memory_space<vmem>> -> memref<40x1x1024xf32, #tpu.memory_space<vmem>>
    %dma_wait3A_272 = tpu.memref_squeeze %dma_wait3A_271 : memref<40x1x1024xf32, #tpu.memory_space<vmem>> -> memref<40x1024xf32, #tpu.memory_space<vmem>>
    %dma_wait3A_273 = arith.constant 0 : i32
    %dma_wait3A_274 = tpu.memref_slice %arg2[%multiple_of3A_171, %dma_wait3A_273] : memref<16000x1024xf32, #tpu.memory_space<hbm>> -> memref<40x1024xf32, #tpu.memory_space<hbm>>
    tpu.wait_dma2 semaphore(%arg8 : memref<!tpu.dma_semaphore, #tpu.memory_space<semaphore_mem>>) src(%dma_wait3A_274 : memref<40x1024xf32, #tpu.memory_space<hbm>>) dst(%dma_wait3A_272 : memref<40x1024xf32, #tpu.memory_space<vmem>>)
    %dma_wait3A_275 = arith.constant 0 : i32
    %dma_wait3A_276 = arith.constant 0 : i32
    %dma_wait3A_277 = arith.constant 0 : i32
    %dma_wait3A_278 = tpu.memref_slice %arg4[%dma_wait3A_275, %dma_wait3A_276, %dma_wait3A_277] : memref<40x1x1024xf32, #tpu.memory_space<vmem>> -> memref<40x1x1024xf32, #tpu.memory_space<vmem>>
    %dma_wait3A_279 = arith.constant 0 : i32
    %dma_wait3A_280 = arith.constant 0 : i32
    %dma_wait3A_281 = arith.constant 0 : i32
    %dma_wait3A_282 = tpu.memref_slice %arg3[%dma_wait3A_279, %dma_wait3A_280, %dma_wait3A_281] : memref<8191x1x1024xf32, #tpu.memory_space<hbm>> -> memref<40x1x1024xf32, #tpu.memory_space<hbm>>
    %dma_wait3A_283 = arith.constant 0 : i32
    %dma_wait3A_284 = arith.constant 0 : i32
    %dma_wait3A_285 = arith.constant 0 : i32
    %dma_wait3A_286 = tpu.memref_slice %arg3[%dma_wait3A_283, %dma_wait3A_284, %dma_wait3A_285] : memref<8191x1x1024xf32, #tpu.memory_space<hbm>> -> memref<40x1x1024xf32, #tpu.memory_space<hbm>>
    %dma_wait3A_287 = arith.constant 0 : i32
    %dma_wait3A_288 = arith.constant 0 : i32
    %dma_wait3A_289 = arith.constant 0 : i32
    %dma_wait3A_290 = tpu.memref_slice %arg4[%dma_wait3A_287, %dma_wait3A_288, %dma_wait3A_289] : memref<40x1x1024xf32, #tpu.memory_space<vmem>> -> memref<40x1x1024xf32, #tpu.memory_space<vmem>>
    tpu.wait_dma2 semaphore(%arg10 : memref<!tpu.dma_semaphore, #tpu.memory_space<semaphore_mem>>) src(%dma_wait3A_290 : memref<40x1x1024xf32, #tpu.memory_space<vmem>>) dst(%dma_wait3A_286 : memref<40x1x1024xf32, #tpu.memory_space<hbm>>)
    %add3A_291 = arith.constant 240 : i32
    %add3A_292 = arith.addi %add3A_4, %add3A_291 : i32
    %multiple_of3A_293 = tpu.assume_multiple %add3A_292, 8 : i32
    %dma_start3A_294 = arith.constant 0 : i32
    %dma_start3A_295 = arith.constant 0 : i32
    %dma_start3A_296 = arith.constant 0 : i32
    %dma_start3A_297 = tpu.memref_slice %arg4[%dma_start3A_295, %dma_start3A_294, %dma_start3A_296] : memref<40x1x1024xf32, #tpu.memory_space<vmem>> -> memref<40x1x1024xf32, #tpu.memory_space<vmem>>
    %dma_start3A_298 = tpu.memref_squeeze %dma_start3A_297 : memref<40x1x1024xf32, #tpu.memory_space<vmem>> -> memref<40x1024xf32, #tpu.memory_space<vmem>>
    %dma_start3A_299 = arith.constant 0 : i32
    %dma_start3A_300 = tpu.memref_slice %arg2[%multiple_of3A_293, %dma_start3A_299] : memref<16000x1024xf32, #tpu.memory_space<hbm>> -> memref<40x1024xf32, #tpu.memory_space<hbm>>
    %dma_start3A_301 = arith.constant 0 : i32
    %dma_start3A_302 = arith.constant 0 : i32
    %dma_start3A_303 = tpu.memref_slice %arg4[%dma_start3A_301, %dma_start3A_294, %dma_start3A_302] : memref<40x1x1024xf32, #tpu.memory_space<vmem>> -> memref<40x1x1024xf32, #tpu.memory_space<vmem>>
    %dma_start3A_304 = tpu.memref_squeeze %dma_start3A_303 : memref<40x1x1024xf32, #tpu.memory_space<vmem>> -> memref<40x1024xf32, #tpu.memory_space<vmem>>
    %dma_start3A_305 = arith.constant 0 : i32
    %dma_start3A_306 = tpu.memref_slice %arg2[%multiple_of3A_293, %dma_start3A_305] : memref<16000x1024xf32, #tpu.memory_space<hbm>> -> memref<40x1024xf32, #tpu.memory_space<hbm>>
    tpu.enqueue_dma source(%dma_start3A_306 : memref<40x1024xf32, #tpu.memory_space<hbm>>) target(%dma_start3A_304 : memref<40x1024xf32, #tpu.memory_space<vmem>>) target_semaphore(%arg7 : memref<!tpu.dma_semaphore, #tpu.memory_space<semaphore_mem>>)
    %add3A_307 = arith.constant 159 : i32
    %add3A_308 = arith.addi %mul3A_2, %add3A_307 : i32
    %dma_start3A_309 = arith.constant 0 : i32
    %dma_start3A_310 = arith.constant 0 : i32
    %dma_start3A_311 = arith.constant 0 : i32
    %dma_start3A_312 = tpu.memref_slice %arg5[%dma_start3A_309, %dma_start3A_310, %dma_start3A_311] : memref<40x1x1024xf32, #tpu.memory_space<vmem>> -> memref<40x1x1024xf32, #tpu.memory_space<vmem>>
    %dma_start3A_313 = arith.constant 0 : i32
    %dma_start3A_314 = arith.constant 0 : i32
    %dma_start3A_315 = tpu.memref_slice %arg3[%add3A_308, %dma_start3A_313, %dma_start3A_314] : memref<8191x1x1024xf32, #tpu.memory_space<hbm>> -> memref<40x1x1024xf32, #tpu.memory_space<hbm>>
    %dma_start3A_316 = arith.constant 0 : i32
    %dma_start3A_317 = arith.constant 0 : i32
    %dma_start3A_318 = tpu.memref_slice %arg3[%add3A_308, %dma_start3A_316, %dma_start3A_317] : memref<8191x1x1024xf32, #tpu.memory_space<hbm>> -> memref<40x1x1024xf32, #tpu.memory_space<hbm>>
    %dma_start3A_319 = arith.constant 0 : i32
    %dma_start3A_320 = arith.constant 0 : i32
    %dma_start3A_321 = arith.constant 0 : i32
    %dma_start3A_322 = tpu.memref_slice %arg5[%dma_start3A_319, %dma_start3A_320, %dma_start3A_321] : memref<40x1x1024xf32, #tpu.memory_space<vmem>> -> memref<40x1x1024xf32, #tpu.memory_space<vmem>>
    tpu.enqueue_dma source(%dma_start3A_322 : memref<40x1x1024xf32, #tpu.memory_space<vmem>>) target(%dma_start3A_318 : memref<40x1x1024xf32, #tpu.memory_space<hbm>>) target_semaphore(%arg11 : memref<!tpu.dma_semaphore, #tpu.memory_space<semaphore_mem>>)
    %dma_wait3A_323 = arith.constant 0 : i32
    %dma_wait3A_324 = arith.constant 0 : i32
    %dma_wait3A_325 = arith.constant 0 : i32
    %dma_wait3A_326 = tpu.memref_slice %arg6[%dma_wait3A_324, %dma_wait3A_323, %dma_wait3A_325] : memref<40x1x1024xf32, #tpu.memory_space<vmem>> -> memref<40x1x1024xf32, #tpu.memory_space<vmem>>
    %dma_wait3A_327 = tpu.memref_squeeze %dma_wait3A_326 : memref<40x1x1024xf32, #tpu.memory_space<vmem>> -> memref<40x1024xf32, #tpu.memory_space<vmem>>
    %dma_wait3A_328 = arith.constant 0 : i32
    %dma_wait3A_329 = tpu.memref_slice %arg2[%multiple_of3A_232, %dma_wait3A_328] : memref<16000x1024xf32, #tpu.memory_space<hbm>> -> memref<40x1024xf32, #tpu.memory_space<hbm>>
    %dma_wait3A_330 = arith.constant 0 : i32
    %dma_wait3A_331 = arith.constant 0 : i32
    %dma_wait3A_332 = tpu.memref_slice %arg6[%dma_wait3A_330, %dma_wait3A_323, %dma_wait3A_331] : memref<40x1x1024xf32, #tpu.memory_space<vmem>> -> memref<40x1x1024xf32, #tpu.memory_space<vmem>>
    %dma_wait3A_333 = tpu.memref_squeeze %dma_wait3A_332 : memref<40x1x1024xf32, #tpu.memory_space<vmem>> -> memref<40x1024xf32, #tpu.memory_space<vmem>>
    %dma_wait3A_334 = arith.constant 0 : i32
    %dma_wait3A_335 = tpu.memref_slice %arg2[%multiple_of3A_232, %dma_wait3A_334] : memref<16000x1024xf32, #tpu.memory_space<hbm>> -> memref<40x1024xf32, #tpu.memory_space<hbm>>
    tpu.wait_dma2 semaphore(%arg9 : memref<!tpu.dma_semaphore, #tpu.memory_space<semaphore_mem>>) src(%dma_wait3A_335 : memref<40x1024xf32, #tpu.memory_space<hbm>>) dst(%dma_wait3A_333 : memref<40x1024xf32, #tpu.memory_space<vmem>>)
    %add3A_336 = arith.constant 199 : i32
    %add3A_337 = arith.addi %mul3A_2, %add3A_336 : i32
    %dma_start3A_338 = arith.constant 0 : i32
    %dma_start3A_339 = arith.constant 0 : i32
    %dma_start3A_340 = arith.constant 0 : i32
    %dma_start3A_341 = tpu.memref_slice %arg6[%dma_start3A_338, %dma_start3A_339, %dma_start3A_340] : memref<40x1x1024xf32, #tpu.memory_space<vmem>> -> memref<40x1x1024xf32, #tpu.memory_space<vmem>>
    %dma_start3A_342 = arith.constant 0 : i32
    %dma_start3A_343 = arith.constant 0 : i32
    %dma_start3A_344 = tpu.memref_slice %arg3[%add3A_337, %dma_start3A_342, %dma_start3A_343] : memref<8191x1x1024xf32, #tpu.memory_space<hbm>> -> memref<40x1x1024xf32, #tpu.memory_space<hbm>>
    %dma_start3A_345 = arith.constant 0 : i32
    %dma_start3A_346 = arith.constant 0 : i32
    %dma_start3A_347 = tpu.memref_slice %arg3[%add3A_337, %dma_start3A_345, %dma_start3A_346] : memref<8191x1x1024xf32, #tpu.memory_space<hbm>> -> memref<40x1x1024xf32, #tpu.memory_space<hbm>>
    %dma_start3A_348 = arith.constant 0 : i32
    %dma_start3A_349 = arith.constant 0 : i32
    %dma_start3A_350 = arith.constant 0 : i32
    %dma_start3A_351 = tpu.memref_slice %arg6[%dma_start3A_348, %dma_start3A_349, %dma_start3A_350] : memref<40x1x1024xf32, #tpu.memory_space<vmem>> -> memref<40x1x1024xf32, #tpu.memory_space<vmem>>
    tpu.enqueue_dma source(%dma_start3A_351 : memref<40x1x1024xf32, #tpu.memory_space<vmem>>) target(%dma_start3A_347 : memref<40x1x1024xf32, #tpu.memory_space<hbm>>) target_semaphore(%arg12 : memref<!tpu.dma_semaphore, #tpu.memory_space<semaphore_mem>>)
    %dma_wait3A_352 = arith.constant 0 : i32
    %dma_wait3A_353 = arith.constant 0 : i32
    %dma_wait3A_354 = arith.constant 0 : i32
    %dma_wait3A_355 = tpu.memref_slice %arg4[%dma_wait3A_353, %dma_wait3A_352, %dma_wait3A_354] : memref<40x1x1024xf32, #tpu.memory_space<vmem>> -> memref<40x1x1024xf32, #tpu.memory_space<vmem>>
    %dma_wait3A_356 = tpu.memref_squeeze %dma_wait3A_355 : memref<40x1x1024xf32, #tpu.memory_space<vmem>> -> memref<40x1024xf32, #tpu.memory_space<vmem>>
    %dma_wait3A_357 = arith.constant 0 : i32
    %dma_wait3A_358 = tpu.memref_slice %arg2[%multiple_of3A_293, %dma_wait3A_357] : memref<16000x1024xf32, #tpu.memory_space<hbm>> -> memref<40x1024xf32, #tpu.memory_space<hbm>>
    %dma_wait3A_359 = arith.constant 0 : i32
    %dma_wait3A_360 = arith.constant 0 : i32
    %dma_wait3A_361 = tpu.memref_slice %arg4[%dma_wait3A_359, %dma_wait3A_352, %dma_wait3A_360] : memref<40x1x1024xf32, #tpu.memory_space<vmem>> -> memref<40x1x1024xf32, #tpu.memory_space<vmem>>
    %dma_wait3A_362 = tpu.memref_squeeze %dma_wait3A_361 : memref<40x1x1024xf32, #tpu.memory_space<vmem>> -> memref<40x1024xf32, #tpu.memory_space<vmem>>
    %dma_wait3A_363 = arith.constant 0 : i32
    %dma_wait3A_364 = tpu.memref_slice %arg2[%multiple_of3A_293, %dma_wait3A_363] : memref<16000x1024xf32, #tpu.memory_space<hbm>> -> memref<40x1024xf32, #tpu.memory_space<hbm>>
    tpu.wait_dma2 semaphore(%arg7 : memref<!tpu.dma_semaphore, #tpu.memory_space<semaphore_mem>>) src(%dma_wait3A_364 : memref<40x1024xf32, #tpu.memory_space<hbm>>) dst(%dma_wait3A_362 : memref<40x1024xf32, #tpu.memory_space<vmem>>)
    %lt3A = arith.constant 31 : i32
    %lt3A_365 = arith.cmpi slt, %add3A, %lt3A : i32
    %convert_element_type3A = arith.extui %lt3A_365 : i1 to i32
    %cond3A = arith.constant 0 : i32
    %cond3A_366 = arith.cmpi ne, %convert_element_type3A, %cond3A : i32
    scf.if %cond3A_366 {
      %add3A_413 = arith.constant 239 : i32
      %add3A_414 = arith.addi %mul3A_2, %add3A_413 : i32
      %dma_start3A_415 = arith.constant 0 : i32
      %dma_start3A_416 = arith.constant 0 : i32
      %dma_start3A_417 = arith.constant 0 : i32
      %dma_start3A_418 = tpu.memref_slice %arg4[%dma_start3A_415, %dma_start3A_416, %dma_start3A_417] : memref<40x1x1024xf32, #tpu.memory_space<vmem>> -> memref<17x1x1024xf32, #tpu.memory_space<vmem>>
      %dma_start3A_419 = arith.constant 0 : i32
      %dma_start3A_420 = arith.constant 0 : i32
      %dma_start3A_421 = tpu.memref_slice %arg3[%add3A_414, %dma_start3A_419, %dma_start3A_420] : memref<8191x1x1024xf32, #tpu.memory_space<hbm>> -> memref<17x1x1024xf32, #tpu.memory_space<hbm>>
      %dma_start3A_422 = arith.constant 0 : i32
      %dma_start3A_423 = arith.constant 0 : i32
      %dma_start3A_424 = tpu.memref_slice %arg3[%add3A_414, %dma_start3A_422, %dma_start3A_423] : memref<8191x1x1024xf32, #tpu.memory_space<hbm>> -> memref<17x1x1024xf32, #tpu.memory_space<hbm>>
      %dma_start3A_425 = arith.constant 0 : i32
      %dma_start3A_426 = arith.constant 0 : i32
      %dma_start3A_427 = arith.constant 0 : i32
      %dma_start3A_428 = tpu.memref_slice %arg4[%dma_start3A_425, %dma_start3A_426, %dma_start3A_427] : memref<40x1x1024xf32, #tpu.memory_space<vmem>> -> memref<17x1x1024xf32, #tpu.memory_space<vmem>>
      tpu.enqueue_dma source(%dma_start3A_428 : memref<17x1x1024xf32, #tpu.memory_space<vmem>>) target(%dma_start3A_424 : memref<17x1x1024xf32, #tpu.memory_space<hbm>>) target_semaphore(%arg10 : memref<!tpu.dma_semaphore, #tpu.memory_space<semaphore_mem>>)
    } else {
    }
    %eq3A = arith.constant 31 : i32
    %eq3A_367 = arith.cmpi eq, %add3A, %eq3A : i32
    %convert_element_type3A_368 = arith.extui %eq3A_367 : i1 to i32
    %cond3A_369 = arith.constant 0 : i32
    %cond3A_370 = arith.cmpi ne, %convert_element_type3A_368, %cond3A_369 : i32
    scf.if %cond3A_370 {
      %add3A_413 = arith.constant 239 : i32
      %add3A_414 = arith.addi %mul3A_2, %add3A_413 : i32
      %dma_start3A_415 = arith.constant 0 : i32
      %dma_start3A_416 = arith.constant 0 : i32
      %dma_start3A_417 = arith.constant 0 : i32
      %dma_start3A_418 = tpu.memref_slice %arg4[%dma_start3A_415, %dma_start3A_416, %dma_start3A_417] : memref<40x1x1024xf32, #tpu.memory_space<vmem>> -> memref<16x1x1024xf32, #tpu.memory_space<vmem>>
      %dma_start3A_419 = arith.constant 0 : i32
      %dma_start3A_420 = arith.constant 0 : i32
      %dma_start3A_421 = tpu.memref_slice %arg3[%add3A_414, %dma_start3A_419, %dma_start3A_420] : memref<8191x1x1024xf32, #tpu.memory_space<hbm>> -> memref<16x1x1024xf32, #tpu.memory_space<hbm>>
      %dma_start3A_422 = arith.constant 0 : i32
      %dma_start3A_423 = arith.constant 0 : i32
      %dma_start3A_424 = tpu.memref_slice %arg3[%add3A_414, %dma_start3A_422, %dma_start3A_423] : memref<8191x1x1024xf32, #tpu.memory_space<hbm>> -> memref<16x1x1024xf32, #tpu.memory_space<hbm>>
      %dma_start3A_425 = arith.constant 0 : i32
      %dma_start3A_426 = arith.constant 0 : i32
      %dma_start3A_427 = arith.constant 0 : i32
      %dma_start3A_428 = tpu.memref_slice %arg4[%dma_start3A_425, %dma_start3A_426, %dma_start3A_427] : memref<40x1x1024xf32, #tpu.memory_space<vmem>> -> memref<16x1x1024xf32, #tpu.memory_space<vmem>>
      tpu.enqueue_dma source(%dma_start3A_428 : memref<16x1x1024xf32, #tpu.memory_space<vmem>>) target(%dma_start3A_424 : memref<16x1x1024xf32, #tpu.memory_space<hbm>>) target_semaphore(%arg10 : memref<!tpu.dma_semaphore, #tpu.memory_space<semaphore_mem>>)
    } else {
    }
    %dma_wait3A_371 = arith.constant 0 : i32
    %dma_wait3A_372 = arith.constant 0 : i32
    %dma_wait3A_373 = arith.constant 0 : i32
    %dma_wait3A_374 = tpu.memref_slice %arg5[%dma_wait3A_371, %dma_wait3A_372, %dma_wait3A_373] : memref<40x1x1024xf32, #tpu.memory_space<vmem>> -> memref<40x1x1024xf32, #tpu.memory_space<vmem>>
    %dma_wait3A_375 = arith.constant 0 : i32
    %dma_wait3A_376 = arith.constant 0 : i32
    %dma_wait3A_377 = arith.constant 0 : i32
    %dma_wait3A_378 = tpu.memref_slice %arg3[%dma_wait3A_375, %dma_wait3A_376, %dma_wait3A_377] : memref<8191x1x1024xf32, #tpu.memory_space<hbm>> -> memref<40x1x1024xf32, #tpu.memory_space<hbm>>
    %dma_wait3A_379 = arith.constant 0 : i32
    %dma_wait3A_380 = arith.constant 0 : i32
    %dma_wait3A_381 = arith.constant 0 : i32
    %dma_wait3A_382 = tpu.memref_slice %arg3[%dma_wait3A_379, %dma_wait3A_380, %dma_wait3A_381] : memref<8191x1x1024xf32, #tpu.memory_space<hbm>> -> memref<40x1x1024xf32, #tpu.memory_space<hbm>>
    %dma_wait3A_383 = arith.constant 0 : i32
    %dma_wait3A_384 = arith.constant 0 : i32
    %dma_wait3A_385 = arith.constant 0 : i32
    %dma_wait3A_386 = tpu.memref_slice %arg5[%dma_wait3A_383, %dma_wait3A_384, %dma_wait3A_385] : memref<40x1x1024xf32, #tpu.memory_space<vmem>> -> memref<40x1x1024xf32, #tpu.memory_space<vmem>>
    tpu.wait_dma2 semaphore(%arg11 : memref<!tpu.dma_semaphore, #tpu.memory_space<semaphore_mem>>) src(%dma_wait3A_386 : memref<40x1x1024xf32, #tpu.memory_space<vmem>>) dst(%dma_wait3A_382 : memref<40x1x1024xf32, #tpu.memory_space<hbm>>)
    %dma_wait3A_387 = arith.constant 0 : i32
    %dma_wait3A_388 = arith.constant 0 : i32
    %dma_wait3A_389 = arith.constant 0 : i32
    %dma_wait3A_390 = tpu.memref_slice %arg6[%dma_wait3A_387, %dma_wait3A_388, %dma_wait3A_389] : memref<40x1x1024xf32, #tpu.memory_space<vmem>> -> memref<40x1x1024xf32, #tpu.memory_space<vmem>>
    %dma_wait3A_391 = arith.constant 0 : i32
    %dma_wait3A_392 = arith.constant 0 : i32
    %dma_wait3A_393 = arith.constant 0 : i32
    %dma_wait3A_394 = tpu.memref_slice %arg3[%dma_wait3A_391, %dma_wait3A_392, %dma_wait3A_393] : memref<8191x1x1024xf32, #tpu.memory_space<hbm>> -> memref<40x1x1024xf32, #tpu.memory_space<hbm>>
    %dma_wait3A_395 = arith.constant 0 : i32
    %dma_wait3A_396 = arith.constant 0 : i32
    %dma_wait3A_397 = arith.constant 0 : i32
    %dma_wait3A_398 = tpu.memref_slice %arg3[%dma_wait3A_395, %dma_wait3A_396, %dma_wait3A_397] : memref<8191x1x1024xf32, #tpu.memory_space<hbm>> -> memref<40x1x1024xf32, #tpu.memory_space<hbm>>
    %dma_wait3A_399 = arith.constant 0 : i32
    %dma_wait3A_400 = arith.constant 0 : i32
    %dma_wait3A_401 = arith.constant 0 : i32
    %dma_wait3A_402 = tpu.memref_slice %arg6[%dma_wait3A_399, %dma_wait3A_400, %dma_wait3A_401] : memref<40x1x1024xf32, #tpu.memory_space<vmem>> -> memref<40x1x1024xf32, #tpu.memory_space<vmem>>
    tpu.wait_dma2 semaphore(%arg12 : memref<!tpu.dma_semaphore, #tpu.memory_space<semaphore_mem>>) src(%dma_wait3A_402 : memref<40x1x1024xf32, #tpu.memory_space<vmem>>) dst(%dma_wait3A_398 : memref<40x1x1024xf32, #tpu.memory_space<hbm>>)
    %lt3A_403 = arith.constant 31 : i32
    %lt3A_404 = arith.cmpi slt, %add3A, %lt3A_403 : i32
    %convert_element_type3A_405 = arith.extui %lt3A_404 : i1 to i32
    %cond3A_406 = arith.constant 0 : i32
    %cond3A_407 = arith.cmpi ne, %convert_element_type3A_405, %cond3A_406 : i32
    scf.if %cond3A_407 {
      %dma_wait3A_413 = arith.constant 0 : i32
      %dma_wait3A_414 = arith.constant 0 : i32
      %dma_wait3A_415 = arith.constant 0 : i32
      %dma_wait3A_416 = tpu.memref_slice %arg4[%dma_wait3A_413, %dma_wait3A_414, %dma_wait3A_415] : memref<40x1x1024xf32, #tpu.memory_space<vmem>> -> memref<17x1x1024xf32, #tpu.memory_space<vmem>>
      %dma_wait3A_417 = arith.constant 0 : i32
      %dma_wait3A_418 = arith.constant 0 : i32
      %dma_wait3A_419 = arith.constant 0 : i32
      %dma_wait3A_420 = tpu.memref_slice %arg3[%dma_wait3A_417, %dma_wait3A_418, %dma_wait3A_419] : memref<8191x1x1024xf32, #tpu.memory_space<hbm>> -> memref<17x1x1024xf32, #tpu.memory_space<hbm>>
      %dma_wait3A_421 = arith.constant 0 : i32
      %dma_wait3A_422 = arith.constant 0 : i32
      %dma_wait3A_423 = arith.constant 0 : i32
      %dma_wait3A_424 = tpu.memref_slice %arg3[%dma_wait3A_421, %dma_wait3A_422, %dma_wait3A_423] : memref<8191x1x1024xf32, #tpu.memory_space<hbm>> -> memref<17x1x1024xf32, #tpu.memory_space<hbm>>
      %dma_wait3A_425 = arith.constant 0 : i32
      %dma_wait3A_426 = arith.constant 0 : i32
      %dma_wait3A_427 = arith.constant 0 : i32
      %dma_wait3A_428 = tpu.memref_slice %arg4[%dma_wait3A_425, %dma_wait3A_426, %dma_wait3A_427] : memref<40x1x1024xf32, #tpu.memory_space<vmem>> -> memref<17x1x1024xf32, #tpu.memory_space<vmem>>
      tpu.wait_dma2 semaphore(%arg10 : memref<!tpu.dma_semaphore, #tpu.memory_space<semaphore_mem>>) src(%dma_wait3A_428 : memref<17x1x1024xf32, #tpu.memory_space<vmem>>) dst(%dma_wait3A_424 : memref<17x1x1024xf32, #tpu.memory_space<hbm>>)
    } else {
    }
    %eq3A_408 = arith.constant 31 : i32
    %eq3A_409 = arith.cmpi eq, %add3A, %eq3A_408 : i32
    %convert_element_type3A_410 = arith.extui %eq3A_409 : i1 to i32
    %cond3A_411 = arith.constant 0 : i32
    %cond3A_412 = arith.cmpi ne, %convert_element_type3A_410, %cond3A_411 : i32
    scf.if %cond3A_412 {
      %dma_wait3A_413 = arith.constant 0 : i32
      %dma_wait3A_414 = arith.constant 0 : i32
      %dma_wait3A_415 = arith.constant 0 : i32
      %dma_wait3A_416 = tpu.memref_slice %arg4[%dma_wait3A_413, %dma_wait3A_414, %dma_wait3A_415] : memref<40x1x1024xf32, #tpu.memory_space<vmem>> -> memref<16x1x1024xf32, #tpu.memory_space<vmem>>
      %dma_wait3A_417 = arith.constant 0 : i32
      %dma_wait3A_418 = arith.constant 0 : i32
      %dma_wait3A_419 = arith.constant 0 : i32
      %dma_wait3A_420 = tpu.memref_slice %arg3[%dma_wait3A_417, %dma_wait3A_418, %dma_wait3A_419] : memref<8191x1x1024xf32, #tpu.memory_space<hbm>> -> memref<16x1x1024xf32, #tpu.memory_space<hbm>>
      %dma_wait3A_421 = arith.constant 0 : i32
      %dma_wait3A_422 = arith.constant 0 : i32
      %dma_wait3A_423 = arith.constant 0 : i32
      %dma_wait3A_424 = tpu.memref_slice %arg3[%dma_wait3A_421, %dma_wait3A_422, %dma_wait3A_423] : memref<8191x1x1024xf32, #tpu.memory_space<hbm>> -> memref<16x1x1024xf32, #tpu.memory_space<hbm>>
      %dma_wait3A_425 = arith.constant 0 : i32
      %dma_wait3A_426 = arith.constant 0 : i32
      %dma_wait3A_427 = arith.constant 0 : i32
      %dma_wait3A_428 = tpu.memref_slice %arg4[%dma_wait3A_425, %dma_wait3A_426, %dma_wait3A_427] : memref<40x1x1024xf32, #tpu.memory_space<vmem>> -> memref<16x1x1024xf32, #tpu.memory_space<vmem>>
      tpu.wait_dma2 semaphore(%arg10 : memref<!tpu.dma_semaphore, #tpu.memory_space<semaphore_mem>>) src(%dma_wait3A_428 : memref<16x1x1024xf32, #tpu.memory_space<vmem>>) dst(%dma_wait3A_424 : memref<16x1x1024xf32, #tpu.memory_space<hbm>>)
    } else {
    }
    return
  }
}

</mosaic_0001>

<sc_bundles>
// kernel: kernel.3.cloned.1.call-start
scs
__scs_entry_jumppad:
0x0: {  	(pc) =	sbr.rel $0x88, $3  }
0x1: {  	(tag) =	ssettag $0x0;
	lr =	simm.s32 $0x1  }
0x2: {  	[smem:$0x3FA0] =	sst lr;
	_ =	strace $0xD0000000  }
0x3: {  	_ = 	snop  }
0x4: {  	_ = 	snop  }
0x5: {  	_ = 	snop  }
0x6: {  	_ = 	snop  }
0x7: {  	_ = 	snop  }
__scs_overlays_trampoline_lowered:
0x8: {  	[smem:$0x3FAF] =	sst s0  }
0x9: {  	[smem:$0x3FB0] =	sst s1  }
0xa: {  	[smem:$0x3FB1] =	sst s2  }
0xb: {  	[smem:$0x3FB2] =	sst s3  }
0xc: {  	[smem:$0x3FB3] =	sst s4  }
0xd: {  	[smem:$0x3FB4] =	sst s5  }
0xe: {  	[smem:$0x3FB5] =	sst s6  }
0xf: {  	[smem:$0x3FB6] =	sst s7  }
0x10: {  	[smem:$0x3FB7] =	sst s8  }
0x11: {  	[smem:$0x3FB8] =	sst s9;
	s0 =	simm.s32 @!p0 $0x0  }
0x12: {  	s1 =	sld [smem:$0x3F9E];
	s0 =	simm.s32 @p0 $0x1  }
0x13: {  	[smem:$0x3FB9] =	sst s0;
	s0 =	simm.s32 @!p1 $0x0  }
0x14: {  	s2 =	sld [smem:$0x3F9D];
	s0 =	simm.s32 @p1 $0x1  }
0x15: {  	[smem:$0x3FBA] =	sst s0;
	s0 =	simm.s32 @!p2 $0x0  }
0x16: {  	s3 =	sld [smem:$0x3FDB];
	s0 =	simm.s32 @p2 $0x1  }
0x17: {  	s4 =	simm.s32 $0x1BF5;
	[smem:$0x3FBC] =	sst s0  }
0x18: {  	s0 =	sld [smem:$0x3F9F];
	_ =	swait.ge [sflag:s4], $0x0  }
0x19: {  	s7 =	sld [smem:$0x3FA0]  }
0x1a: {  	s8 =	sadd.s32 $0xFFFFE003, lr  }
0x1b: {  	s9 =	sadd.s32 $0xFFFFFEF7, lr;
	s5 =	simm.s32 $0xFFFFFFFF;
	p2 =	slt.u32 s8, $0xFFFFF086  }
0x1c: {  	p1 =	slt.u32 s9, $0xF7A;
	s5 =	simm.s32 @!p2 $0x0  }
0x1d: {  	s5 =	simm.s32 @p1 $0x1;
	p0 =	seq.s32 s7, s2  }
0x1e: {  	s7 =	smul.u32 @!p0 $0xF7A, s2;
	p2 =	seq.s32 @!p0 s5, $0x0  }
0x1f: {  	s9 =	smul.u32 $0xF7A, s1;
	s8 =	simm.s32 @!p0 $0x1BF5;
	p2 =	por !p2, p0  }
0x20: {  	[sflag:s8] =	ssyncset.s32 @!p0 $0xFFFFF086;
	s6 =	sadd.s32 @!p0 s3, s7;
	s7 =	simm.s32 @!p0 $0x108  }
0x21: {  	s3 =	sadd.s32 s3, s9;
	s6 =	sadd.s32 @!p0 $0x88, s6;
	s7 =	simm.s32 @p2 $0x1082  }
0x22: {  	[simem:s7], [sflag:s8] =	dma.local @!p0 [hbm:s6], $0xF7A  }
0x23: {  	s9 =	sor.u32 $0xD0000000, s2;
	s6 =	simm.s32 $0x108;
	_ =	swait.ge @!p0 [sflag:s8], $0x0  }
0x24: {  	s3 =	sadd.s32 $0x88, s3;
	s6 =	simm.s32 @!p1 $0x1082;
	[sflag:s4] =	ssyncset.s32 $0xFFFFF086  }
0x25: {  	[simem:s6], [sflag:s4] =	dma.local [hbm:s3], $0xF7A  }
0x26: {  	[smem:$0x3FA0] =	sst s1;
	(tag) =	ssettag s2;
	_ =	strace s9  }
0x27: {  	s1 =	sld [smem:$0x3FB0]  }
0x28: {  	s2 =	sld [smem:$0x3FB1]  }
0x29: {  	s4 =	sld [smem:$0x3FB3]  }
0x2a: {  	p0 =	seq.s32 s5, $0x0;
	s5 =	sld [smem:$0x3FB4]  }
0x2b: {  	s6 =	sld [smem:$0x3FB5]  }
0x2c: {  	s7 =	sld [smem:$0x3FB6]  }
0x2d: {  	s3 =	simm.s32 $0x108;
	s8 =	sld [smem:$0x3FB7]  }
0x2e: {  	s3 =	simm.s32 @!p0 $0x1082;
	s9 =	sld [smem:$0x3FB8]  }
0x2f: {  	lr =	sadd.s32 s0, s3;
	s0 =	sld [smem:$0x3FAF]  }
0x30: {  	s3 =	sld [smem:$0x3FB2]  }
0x31: {  	[smem:$0x3FBB] =	sst s10  }
0x32: {  	s10 =	sld [smem:$0x3FB9];
	_ =	sdelay $0x3  }
0x33: {  	p0 =	seq.s32 s10, $0x1;
	s10 =	sld [smem:$0x3FBB];
	_ =	sdelay $0x3  }
0x34: {  	[smem:$0x3FBB] =	sst s10  }
0x35: {  	s10 =	sld [smem:$0x3FBA];
	_ =	sdelay $0x3  }
0x36: {  	p1 =	seq.s32 s10, $0x1;
	s10 =	sld [smem:$0x3FBB];
	_ =	sdelay $0x3  }
0x37: {  	[smem:$0x3FBB] =	sst s10  }
0x38: {  	s10 =	sld [smem:$0x3FBC]  }
0x39: {  	_ = 	snop;
	(pc) =	sbr.ind lr, $3  }
0x3a: {  	_ = 	snop  }
0x3b: {  	_ = 	snop  }
0x3c: {  	p2 =	seq.s32 s10, $0x1;
	s10 =	sld [smem:$0x3FBB]  }
0x3d: {  	_ =	shalt  }
0x3e: {  	_ =	shalt  }
0x3f: {  	_ =	shalt  }
0x40: {  	_ =	shalt  }
0x41: {  	_ =	shalt  }
0x42: {  	_ =	shalt  }
0x43: {  	_ =	shalt  }
0x44: {  	_ =	shalt  }
0x45: {  	_ =	shalt  }
0x46: {  	_ =	shalt  }
0x47: {  	_ =	shalt  }
0x48: {  	_ =	shalt  }
0x49: {  	_ =	shalt  }
0x4a: {  	_ =	shalt  }
0x4b: {  	_ =	shalt  }
0x4c: {  	_ =	shalt  }
0x4d: {  	_ =	shalt  }
0x4e: {  	_ =	shalt  }
0x4f: {  	_ =	shalt  }
0x50: {  	_ =	shalt  }
0x51: {  	_ =	shalt  }
0x52: {  	_ =	shalt  }
0x53: {  	_ =	shalt  }
0x54: {  	_ =	shalt  }
0x55: {  	_ =	shalt  }
0x56: {  	_ =	shalt  }
0x57: {  	_ =	shalt  }
0x58: {  	_ =	shalt  }
0x59: {  	_ =	shalt  }
0x5a: {  	_ =	shalt  }
0x5b: {  	_ =	shalt  }
0x5c: {  	_ =	shalt  }
0x5d: {  	_ =	shalt  }
0x5e: {  	_ =	shalt  }
0x5f: {  	_ =	shalt  }
0x60: {  	_ =	shalt  }
0x61: {  	_ =	shalt  }
0x62: {  	_ =	shalt  }
0x63: {  	_ =	shalt  }
0x64: {  	_ =	shalt  }
0x65: {  	_ =	shalt  }
0x66: {  	_ =	shalt  }
0x67: {  	_ =	shalt  }
0x68: {  	_ =	shalt  }
0x69: {  	_ =	shalt  }
0x6a: {  	_ =	shalt  }
0x6b: {  	_ =	shalt  }
0x6c: {  	_ =	shalt  }
0x6d: {  	_ =	shalt  }
0x6e: {  	_ =	shalt  }
0x6f: {  	_ =	shalt  }
0x70: {  	_ =	shalt  }
0x71: {  	_ =	shalt  }
0x72: {  	_ =	shalt  }
0x73: {  	_ =	shalt  }
0x74: {  	_ =	shalt  }
0x75: {  	_ =	shalt  }
0x76: {  	_ =	shalt  }
0x77: {  	_ =	shalt  }
0x78: {  	_ =	shalt  }
0x79: {  	_ =	shalt  }
0x7a: {  	_ =	shalt  }
0x7b: {  	_ =	shalt  }
0x7c: {  	_ =	shalt  }
0x7d: {  	_ =	shalt  }
0x7e: {  	_ =	shalt  }
0x7f: {  	_ =	shalt  }
0x80: {  	_ =	shalt  }
0x81: {  	_ =	shalt  }
0x82: {  	_ =	shalt  }
0x83: {  	_ =	shalt  }
0x84: {  	_ =	shalt  }
0x85: {  	_ =	shalt  }
0x86: {  	_ =	shalt  }
0x87: {  	_ =	shalt  }
.Lfunc_end0:
.L_simem_size_0:
called_computation_lowered:
.L_overlay_start_0:
0x88: {  	s2 =	sld [smem:$0x3FD9]  }
0x89: {  	s3 =	sld [smem:$0x3FFE];
	_ =	sdelay $0x1  }
0x8a: {  	s1 =	srdreg.scid  }
0x8b: {  	s0 =	sand.u32 $0x1, s1  }
0x8c: {  	s18 =	sshll.u32 s0, $0xA;
	s2 =	sadd.s32 s3, s2  }
0x8d: {  	s2 =	sadd.s32 s2, s18  }
0x8e: {  	[smem:$0x3FC7] =	sst s2  }
0x8f: {  	_ = 	snop  }
0x90: {  	s2 =	sld [smem:$0x3FC9]  }
0x91: {  	s19 =	sld [smem:$0x3FD0];
	(tm) =	ssettm $0x1  }
0x92: {  	s4 =	sld [smem:$0x3FFB];
	_ =	sdelay $0x3  }
0x93: {  	_ =	strace s4  }
0x94: {  	s4 =	sld [smem:$0x3FFC];
	_ =	sdelay $0x3  }
0x95: {  	_ =	strace s4  }
0x96: {  	s4 =	sld [smem:$0x3FFD];
	_ =	sdelay $0x3  }
0x97: {  	_ =	strace s4  }
0x98: {  	_ =	strace $0x8FFFFFFF  }
0x99: {  	s20 =	sld [smem:$0x3FDB];
	_ =	sdelay $0x1  }
0x9a: {  	s5 =	simm.s32 $_scs_section_size  }
0x9b: {  	s6 =	simm.s32 $_size__tile_overlayer_lowered;
	s7 =	simm.s32 $_tile_overlayer_lowered  }
0x9c: {  	s23 =	simm.s32 $0x1BFF;
	s22 =	sshll.u32 s7, $0x1;
	s4 =	sadd.s32 s5, s20  }
0x9d: {  	s8 =	simm.s32 $0x0;
	s21 =	sshll.u32 s6, $0x1;
	s6 =	sadd.s32 s22, s4  }
0x9e: {  	[timem:s8], [sflag:s23] =	dma.local [hbm:s6], s21  }
0x9f: {  	_ =	swait.ge [sflag:s23], s21  }
0xa0: {  	s5 =	ssub.s32 $0x0, s21;
	[sflag:s23] =	ssyncset.done $0x0  }
0xa1: {  	[sflag:s23] =	ssyncadd.s32 s5;
	_ =	sdelay $0x1  }
0xa2: {  	s24 =	simm.s32 $0x1B8B  }
0xa3: {  	_ =	swait.ge [sflag:s24], $0x1  }
0xa4: {  	[sflag:s24] =	ssyncset.done $0x0  }
0xa5: {  	s25 =	simm.s32 $0x1B8E;
	[sflag:s24] =	ssyncadd.s32 $0xFFFFFFFF  }
0xa6: {  	s26 =	simm.s32 $execute0_lowered;
	[smem:$0x3FD2] =	sst s25  }
0xa7: {  	s5 =	sshll.u32 s26, $0x1;
	_ =	strace $0x80000046;
	[dreg:$0x1] =	wrdreg $0xFFFFFFFF  }
0xa8: {  	s28 =	simm.s32 $_size_execute0_lowered;
	s4 =	sadd.s32 s4, s5;
	[dreg:$0x0] =	wrdreg $0x0  }
0xa9: {  	s5 =	sshll.u32 s28, $0x1;
	[dreg:$0x2] =	wrdreg s4  }
0xaa: {  	[dreg:$0x3] =	wrdreg s5  }
0xab: {  	[dreg:$0x4] =	wrdreg $0xC0  }
0xac: {  	_ =	task [dreg:s8], $0x5FFFF  }
0xad: {  	[dreg:$0x1] =	wrdreg $0xFFFFFFFF  }
0xae: {  	[dreg:$0x0] =	wrdreg $0x60  }
0xaf: {  	[dreg:$0x2] =	wrdreg s2  }
0xb0: {  	[dreg:$0x3] =	wrdreg s19  }
0xb1: {  	[dreg:$0x4] =	wrdreg $0x9  }
0xb2: {  	_ =	task.clear_ibuf [dreg:s8], $0x5FFFF;
	_ =	strace $0x90000046  }
0xb3: {  	s29 =	simm.s32 $0x9;
	_ =	strace $0x80000048  }
0xb4: {  	_ =	swait.ge [sflag:s29], $0x1  }
0xb5: {  	[sflag:s29] =	ssyncadd.s32 $0xFFFFFFFF  }
0xb6: {  	_ =	strace $0x90000048  }
0xb7: {  	_ =	sfence  }
0xb8: {  	s30 =	sld [smem:$0x0];
	_ =	sdelay $0x2  }
0xb9: {  	s31 =	sshll.u32 s1, $0xD;
	s1 =	sshrl.u32 s1, $0x2  }
0xba: {  	s3 =	sand.u32 $0x4000, s31;
	s1 =	sadd.s32 s1, s30  }
0xbb: {  	s0 =	sor.u32 s3, s0;
	s1 =	sshll.u32 s1, $0x11  }
0xbc: {  	s0 =	sor.u32 s1, s0  }
0xbd: {  	s0 =	sadd.s32 $0x8F2B, s0  }
0xbe: {  	[sflag:s0] =	ssyncadd.remote.s32 $0x1  }
0xbf: {  	_ =	sfence.sel $0xFFFF  }
0xc0: {  	[dreg:$0x0] =	wrdreg $0xFFFFFFFF;
	(pc) =	sbr.abs _section_cstart, $3  }
0xc1: {  	[dreg:$0x1] =	wrdreg $0xFFFFFFFF  }
0xc2: {  	_ =	task.clear_ibuf [dreg:s8], $0x2FFFF;
	_ =	strace $0x9FFFFFFF  }
0xc3: {  	(tm) =	ssettm $0x7FFFFFFF  }
tec
execute0_lowered:
.L_overlay_start_1:
0x0: {  	(tag) =	ssettag $0x1  }
0x1: {  	s0 =	rddreg [dreg:$0x0]  }
0x2: {  	s1 =	srdreg.scid;
	s3 =	stileid.u32  }
0x3: {  	s2 =	rddreg [dreg:$0x1];
	s26 =	simm.s32 $0x0;
	s19 =	simm.s32 $0x80  }
0x4: {  	s20 =	simm.s32 $0x400;
	s21 =	simm.s32 $0x1;
	s22 =	simm.s32 $0x2  }
0x5: {  	s23 =	simm.s32 $0x4;
	s24 =	simm.s32 $0xA000;
	s25 =	simm.s32 $0x3  }
0x6: {  	s28 =	simm.s32 $0x14000;
	s29 =	simm.s32 $0x6;
	s30 =	simm.s32 $0x0  }
0x7: {  	s1 =	sand.u32 $0x1, s1;
	s3 =	sshll.u32 s3, $0x1;
	[smem:$0x7FF] =	sst s26  }
0x8: {  	s17 =	sadd.s32 $0xFF780, s2;
	s26 =	simm.s32 $0x5;
	s8 =	sor.u32 s1, s3  }
0x9: {  	s1 =	ssub.s32 $0x2, s1;
	_ =	strace $0x80000047;
	s6 =	sshll.u32 s8, $0xF  }
0xa: {  	s31 =	sshrl.u32 s1, $0x1;
	p0 =	seq.s32 s8, $0x1F;
	s0 =	sadd.s32 s0, s6  }
0xb: {  	s1 =	ssub.s32 s1, s31;
	s6 =	sadd.s32 s2, s6;
	s3 =	sadd.s32 $0x7A000, s0  }
0xc: {  	s4 =	sadd.s32 $0x7B400, s0;
	s5 =	sadd.s32 $0x7C800, s0;
	s7 =	sadd.s32 $0x7DC00, s0  }
0xd: {  	s9 =	sadd.s32 $0x1380, s6;
	s10 =	sadd.s32 $0x2780, s6;
	s11 =	sadd.s32 $0x80400, s0  }
0xe: {  	s12 =	sadd.s32 $0x3B80, s6;
	s13 =	sadd.s32 $0x81800, s0;
	s14 =	sadd.s32 $0x4F80, s6  }
0xf: {  	s15 =	sadd.s32 $0x6380, s6;
	s16 =	sadd.s32 $0x7780, s6;
	[dreg:$0x3] =	wrdreg s9  }
0x10: {  	s18 =	smax.u32 s1, $0x1;
	s9 =	sadd.s32 $0x7F000, s0;
	[dreg:$0x4] =	wrdreg s10  }
.LBB2_1:
0x11: {  	s0 =	simm.s32 $0x0  }
0x12: {  	[tilespmem:s0], [sflag:$0x1] =	stream.strided.gather [hbm4b:s3+s19], $0x400, s20, s19, $0x38;
	[tilespmem:$0x1E000] =	vst v63  }
0x13: {  	s2 =	sadd.s32 $0x10, s3;
	s1 =	simm.s32 $0x400  }
0x14: {  	[tilespmem:s1], [sflag:$0x1] =	stream.strided.gather [hbm4b:s2+s19], $0x400, s20, s19, $0x38;
	[tilespmem:$0x1E000] =	vst v63  }
0x15: {  	s8 =	sadd.s32 $0x20, s3;
	s10 =	simm.s32 $0x800  }
0x16: {  	[tilespmem:s10], [sflag:$0x1] =	stream.strided.gather [hbm4b:s8+s19], $0x400, s20, s19, $0x38;
	[tilespmem:$0x1E000] =	vst v63  }
0x17: {  	s31 =	sadd.s32 $0x400, s3;
	s1 =	sadd.s32 $0x30, s3;
	s2 =	simm.s32 $0xC00  }
0x18: {  	[tilespmem:s2], [sflag:$0x1] =	stream.strided.gather [hbm4b:s1+s19], $0x400, s20, s19, $0x38;
	[tilespmem:$0x1E000] =	vst v63  }
0x19: {  	s0 =	sadd.s32 $0x70, s3;
	s8 =	sadd.s32 $0x40, s3;
	s10 =	simm.s32 $0x1000  }
0x1a: {  	[tilespmem:s10], [sflag:$0x1] =	stream.strided.gather [hbm4b:s8+s19], $0x400, s20, s19, $0x38;
	[tilespmem:$0x1E000] =	vst v63  }
0x1b: {  	s1 =	sadd.s32 $0x50, s3;
	s2 =	simm.s32 $0x1400;
	s8 =	sadd.s32 $0x60, s3  }
0x1c: {  	[tilespmem:s2], [sflag:$0x1] =	stream.strided.gather [hbm4b:s1+s19], $0x400, s20, s19, $0x38;
	[tilespmem:$0x1E000] =	vst v63  }
0x1d: {  	s10 =	simm.s32 $0x1800;
	s1 =	simm.s32 $0x8000;
	s2 =	simm.s32 $0x1C00  }
0x1e: {  	[tilespmem:s10], [sflag:$0x1] =	stream.strided.gather [hbm4b:s8+s19], $0x400, s20, s19, $0x38;
	[tilespmem:$0x1E000] =	vst v63  }
.LBB2_2:
0x1f: {  	[tilespmem:s2], [sflag:$0x1] =	stream.strided.gather [hbm4b:s0+s19], $0x400, s20, s19, $0x38;
	[tilespmem:$0x1E000] =	vst v63  }
0x20: {  	s2 =	sshra.s32 s1, $0x2;
	p1 =	sne.s32 s1, $0x20000;
	s1 =	sadd.s32 $0x8000, s1  }
0x21: {  	[tilespmem:s2], [sflag:$0x1] =	stream.strided.gather [hbm4b:s31+s19], $0x400, s20, s19, $0x38;
	[tilespmem:$0x1E000] =	vst v63  }
0x22: {  	s0 =	sadd.s32 $0x10, s31;
	s8 =	sadd.s32 $0x400, s2  }
0x23: {  	[tilespmem:s8], [sflag:$0x1] =	stream.strided.gather [hbm4b:s0+s19], $0x400, s20, s19, $0x38;
	[tilespmem:$0x1E000] =	vst v63  }
0x24: {  	s0 =	sadd.s32 $0x20, s31;
	s8 =	sadd.s32 $0x800, s2  }
0x25: {  	[tilespmem:s8], [sflag:$0x1] =	stream.strided.gather [hbm4b:s0+s19], $0x400, s20, s19, $0x38;
	[tilespmem:$0x1E000] =	vst v63  }
0x26: {  	s0 =	sadd.s32 $0x30, s31;
	s8 =	sadd.s32 $0xC00, s2  }
0x27: {  	[tilespmem:s8], [sflag:$0x1] =	stream.strided.gather [hbm4b:s0+s19], $0x400, s20, s19, $0x38;
	[tilespmem:$0x1E000] =	vst v63  }
0x28: {  	s0 =	sadd.s32 $0x40, s31;
	s8 =	sadd.s32 $0x1000, s2  }
0x29: {  	[tilespmem:s8], [sflag:$0x1] =	stream.strided.gather [hbm4b:s0+s19], $0x400, s20, s19, $0x38;
	[tilespmem:$0x1E000] =	vst v63  }
.Ltmp0:
0x2a: {  	s0 =	sadd.s32 $0x50, s31;
	s8 =	sadd.s32 $0x1400, s2;
	(pc) =	sbr.rel @p1 .LBB2_2-.Ltmp0, $4  }
0x2b: {  	[tilespmem:s8], [sflag:$0x1] =	stream.strided.gather [hbm4b:s0+s19], $0x400, s20, s19, $0x38;
	[tilespmem:$0x1E000] =	vst v63  }
0x2c: {  	s0 =	sadd.s32 $0x60, s31;
	s8 =	sadd.s32 $0x1800, s2  }
0x2d: {  	[tilespmem:s8], [sflag:$0x1] =	stream.strided.gather [hbm4b:s0+s19], $0x400, s20, s19, $0x38;
	[tilespmem:$0x1E000] =	vst v63  }
0x2e: {  	s2 =	sadd.s32 $0x1C00, s2;
	s0 =	sadd.s32 $0x70, s31;
	s31 =	sadd.s32 $0x400, s31  }
0x2f: {  	[tilespmem:s2], [sflag:$0x1] =	stream.strided.gather [hbm4b:s0+s19], $0x400, s20, s19, $0x38;
	[tilespmem:$0x1E000] =	vst v63  }
0x30: {  	s1 =	simm.s32 $0xA000  }
0x31: {  	[tilespmem:s1], [sflag:$0x2] =	stream.strided.gather [hbm4b:s4+s19], $0x400, s20, s19, $0x38;
	[tilespmem:$0x1E000] =	vst v63  }
0x32: {  	s2 =	sadd.s32 $0x10, s4;
	s1 =	simm.s32 $0xA400  }
0x33: {  	[tilespmem:s1], [sflag:$0x2] =	stream.strided.gather [hbm4b:s2+s19], $0x400, s20, s19, $0x38;
	[tilespmem:$0x1E000] =	vst v63  }
0x34: {  	s8 =	sadd.s32 $0x20, s4;
	s10 =	simm.s32 $0xA800  }
0x35: {  	[tilespmem:s10], [sflag:$0x2] =	stream.strided.gather [hbm4b:s8+s19], $0x400, s20, s19, $0x38;
	[tilespmem:$0x1E000] =	vst v63  }
0x36: {  	s1 =	sadd.s32 $0x30, s4;
	s2 =	simm.s32 $0xAC00  }
0x37: {  	[tilespmem:s2], [sflag:$0x2] =	stream.strided.gather [hbm4b:s1+s19], $0x400, s20, s19, $0x38;
	[tilespmem:$0x1E000] =	vst v63  }
0x38: {  	s8 =	sadd.s32 $0x40, s4;
	s10 =	simm.s32 $0xB000  }
0x39: {  	[tilespmem:s10], [sflag:$0x2] =	stream.strided.gather [hbm4b:s8+s19], $0x400, s20, s19, $0x38;
	[tilespmem:$0x1E000] =	vst v63  }
0x3a: {  	s31 =	simm.s32 $0x2000;
	s1 =	sadd.s32 $0x50, s4;
	s2 =	simm.s32 $0xB400  }
0x3b: {  	[tilespmem:s2], [sflag:$0x2] =	stream.strided.gather [hbm4b:s1+s19], $0x400, s20, s19, $0x38;
	[tilespmem:$0x1E000] =	vst v63  }
0x3c: {  	s0 =	simm.s32 $0x10000;
	s8 =	sadd.s32 $0x60, s4;
	s10 =	simm.s32 $0xB800  }
0x3d: {  	[tilespmem:s10], [sflag:$0x2] =	stream.strided.gather [hbm4b:s8+s19], $0x400, s20, s19, $0x38;
	[tilespmem:$0x1E000] =	vst v63  }
0x3e: {  	s2 =	sadd.s32 $0x70, s4;
	s1 =	sadd.s32 $0x400, s4;
	s8 =	simm.s32 $0xBC00  }
.LBB2_4:
0x3f: {  	[tilespmem:s8], [sflag:$0x2] =	stream.strided.gather [hbm4b:s2+s19], $0x400, s20, s19, $0x38;
	[tilespmem:$0x1E000] =	vst v63  }
0x40: {  	s8 =	smov.u32 s31;
	s2 =	smov.u32 s0  }
0x41: {  	s10 =	sadd.s32 $0x8000, s0;
	s31 =	sshra.s32 s2, $0x2;
	s2 =	sadd.s32 $0xA000, s8  }
0x42: {  	[tilespmem:s2], [sflag:$0x2] =	stream.strided.gather [hbm4b:s1+s19], $0x400, s20, s19, $0x38;
	[tilespmem:$0x1E000] =	vst v63  }
0x43: {  	p1 =	sne.s32 s0, $0x20000;
	s0 =	sadd.s32 $0x10, s1;
	s2 =	sadd.s32 $0xA400, s8  }
0x44: {  	[tilespmem:s2], [sflag:$0x2] =	stream.strided.gather [hbm4b:s0+s19], $0x400, s20, s19, $0x38;
	[tilespmem:$0x1E000] =	vst v63  }
0x45: {  	s0 =	sadd.s32 $0x20, s1;
	s2 =	sadd.s32 $0xA800, s8  }
0x46: {  	[tilespmem:s2], [sflag:$0x2] =	stream.strided.gather [hbm4b:s0+s19], $0x400, s20, s19, $0x38;
	[tilespmem:$0x1E000] =	vst v63  }
0x47: {  	s0 =	sadd.s32 $0x30, s1;
	s2 =	sadd.s32 $0xAC00, s8  }
0x48: {  	[tilespmem:s2], [sflag:$0x2] =	stream.strided.gather [hbm4b:s0+s19], $0x400, s20, s19, $0x38;
	[tilespmem:$0x1E000] =	vst v63  }
0x49: {  	s0 =	sadd.s32 $0x40, s1;
	s2 =	sadd.s32 $0xB000, s8  }
0x4a: {  	[tilespmem:s2], [sflag:$0x2] =	stream.strided.gather [hbm4b:s0+s19], $0x400, s20, s19, $0x38;
	[tilespmem:$0x1E000] =	vst v63  }
.Ltmp1:
0x4b: {  	s0 =	sadd.s32 $0x50, s1;
	s2 =	sadd.s32 $0xB400, s8;
	(pc) =	sbr.rel @p1 .LBB2_4-.Ltmp1, $4  }
0x4c: {  	[tilespmem:s2], [sflag:$0x2] =	stream.strided.gather [hbm4b:s0+s19], $0x400, s20, s19, $0x38;
	[tilespmem:$0x1E000] =	vst v63  }
0x4d: {  	s0 =	sadd.s32 $0x60, s1;
	s2 =	sadd.s32 $0xB800, s8;
	s8 =	sadd.s32 $0xBC00, s8  }
0x4e: {  	[tilespmem:s2], [sflag:$0x2] =	stream.strided.gather [hbm4b:s0+s19], $0x400, s20, s19, $0x38;
	[tilespmem:$0x1E000] =	vst v63  }
0x4f: {  	s2 =	sadd.s32 $0x70, s1;
	s1 =	sadd.s32 $0x400, s1;
	s0 =	smov.u32 s10  }
0x50: {  	[tilespmem:s8], [sflag:$0x2] =	stream.strided.gather [hbm4b:s2+s19], $0x400, s20, s19, $0x38;
	[tilespmem:$0x1E000] =	vst v63  }
0x51: {  	s0 =	sadd.s32 $0xA000, s31  }
0x52: {  	[tilespmem:s0], [sflag:$0x2] =	stream.strided.gather [hbm4b:s1+s19], $0x400, s20, s19, $0x38;
	[tilespmem:$0x1E000] =	vst v63  }
0x53: {  	s8 =	sadd.s32 $0x10, s1;
	s10 =	sadd.s32 $0xA400, s31  }
0x54: {  	[tilespmem:s10], [sflag:$0x2] =	stream.strided.gather [hbm4b:s8+s19], $0x400, s20, s19, $0x38;
	[tilespmem:$0x1E000] =	vst v63  }
0x55: {  	s8 =	sadd.s32 $0x20, s1;
	s10 =	sadd.s32 $0xA800, s31  }
0x56: {  	[tilespmem:s10], [sflag:$0x2] =	stream.strided.gather [hbm4b:s8+s19], $0x400, s20, s19, $0x38;
	[tilespmem:$0x1E000] =	vst v63  }
0x57: {  	s8 =	sadd.s32 $0x30, s1;
	s10 =	sadd.s32 $0xAC00, s31  }
0x58: {  	[tilespmem:s10], [sflag:$0x2] =	stream.strided.gather [hbm4b:s8+s19], $0x400, s20, s19, $0x38;
	[tilespmem:$0x1E000] =	vst v63  }
0x59: {  	s8 =	sadd.s32 $0x40, s1;
	s10 =	sadd.s32 $0xB000, s31  }
0x5a: {  	[tilespmem:s10], [sflag:$0x2] =	stream.strided.gather [hbm4b:s8+s19], $0x400, s20, s19, $0x38;
	[tilespmem:$0x1E000] =	vst v63  }
0x5b: {  	s8 =	sadd.s32 $0x50, s1;
	s10 =	sadd.s32 $0xB400, s31  }
0x5c: {  	[tilespmem:s10], [sflag:$0x2] =	stream.strided.gather [hbm4b:s8+s19], $0x400, s20, s19, $0x38;
	[tilespmem:$0x1E000] =	vst v63  }
0x5d: {  	s8 =	sadd.s32 $0x60, s1;
	s10 =	sadd.s32 $0xB800, s31  }
0x5e: {  	[tilespmem:s10], [sflag:$0x2] =	stream.strided.gather [hbm4b:s8+s19], $0x400, s20, s19, $0x38;
	[tilespmem:$0x1E000] =	vst v63  }
0x5f: {  	s2 =	sadd.s32 $0x70, s1;
	s8 =	sadd.s32 $0xBC00, s31  }
0x60: {  	[tilespmem:s8], [sflag:$0x2] =	stream.strided.gather [hbm4b:s2+s19], $0x400, s20, s19, $0x38;
	[tilespmem:$0x1E000] =	vst v63  }
0x61: {  	_ =	swait.ge [sflag:s21], $0xA000  }
0x62: {  	[sflag:s21] =	ssyncset.done $0x0  }
0x63: {  	s10 =	simm.s32 $0x14000;
	[sflag:s21] =	ssyncadd.s32 $0xFFFF6000  }
0x64: {  	[tilespmem:s10], [sflag:$0x3] =	stream.strided.gather [hbm4b:s5+s19], $0x400, s20, s19, $0x38;
	[tilespmem:$0x1E000] =	vst v63  }
0x65: {  	s1 =	sadd.s32 $0x10, s5;
	s2 =	simm.s32 $0x14400  }
0x66: {  	[tilespmem:s2], [sflag:$0x3] =	stream.strided.gather [hbm4b:s1+s19], $0x400, s20, s19, $0x38;
	[tilespmem:$0x1E000] =	vst v63  }
0x67: {  	s8 =	sadd.s32 $0x20, s5;
	s10 =	simm.s32 $0x14800  }
0x68: {  	[tilespmem:s10], [sflag:$0x3] =	stream.strided.gather [hbm4b:s8+s19], $0x400, s20, s19, $0x38;
	[tilespmem:$0x1E000] =	vst v63  }
0x69: {  	s1 =	sadd.s32 $0x30, s5;
	s2 =	simm.s32 $0x14C00  }
0x6a: {  	[tilespmem:s2], [sflag:$0x3] =	stream.strided.gather [hbm4b:s1+s19], $0x400, s20, s19, $0x38;
	[tilespmem:$0x1E000] =	vst v63  }
0x6b: {  	s8 =	sadd.s32 $0x40, s5;
	s10 =	simm.s32 $0x15000  }
0x6c: {  	[tilespmem:s10], [sflag:$0x3] =	stream.strided.gather [hbm4b:s8+s19], $0x400, s20, s19, $0x38;
	[tilespmem:$0x1E000] =	vst v63  }
0x6d: {  	s0 =	simm.s32 $0x10000;
	s1 =	sadd.s32 $0x50, s5;
	s2 =	simm.s32 $0x15400  }
0x6e: {  	[tilespmem:s2], [sflag:$0x3] =	stream.strided.gather [hbm4b:s1+s19], $0x400, s20, s19, $0x38;
	[tilespmem:$0x1E000] =	vst v63  }
0x6f: {  	s31 =	simm.s32 $0x2000;
	s8 =	sadd.s32 $0x60, s5;
	s10 =	simm.s32 $0x15800  }
0x70: {  	[tilespmem:s10], [sflag:$0x3] =	stream.strided.gather [hbm4b:s8+s19], $0x400, s20, s19, $0x38;
	[tilespmem:$0x1E000] =	vst v63  }
0x71: {  	s2 =	sadd.s32 $0x70, s5;
	s1 =	sadd.s32 $0x400, s5;
	s8 =	simm.s32 $0x15C00  }
.LBB2_6:
0x72: {  	[tilespmem:s8], [sflag:$0x3] =	stream.strided.gather [hbm4b:s2+s19], $0x400, s20, s19, $0x38;
	[tilespmem:$0x1E000] =	vst v63  }
0x73: {  	s8 =	smov.u32 s31;
	s2 =	smov.u32 s0  }
0x74: {  	s10 =	sadd.s32 $0x8000, s0;
	s31 =	sshra.s32 s2, $0x2;
	s2 =	sadd.s32 $0x14000, s8  }
0x75: {  	[tilespmem:s2], [sflag:$0x3] =	stream.strided.gather [hbm4b:s1+s19], $0x400, s20, s19, $0x38;
	[tilespmem:$0x1E000] =	vst v63  }
0x76: {  	p1 =	sne.s32 s0, $0x20000;
	s0 =	sadd.s32 $0x10, s1;
	s2 =	sadd.s32 $0x14400, s8  }
0x77: {  	[tilespmem:s2], [sflag:$0x3] =	stream.strided.gather [hbm4b:s0+s19], $0x400, s20, s19, $0x38;
	[tilespmem:$0x1E000] =	vst v63  }
0x78: {  	s0 =	sadd.s32 $0x20, s1;
	s2 =	sadd.s32 $0x14800, s8  }
0x79: {  	[tilespmem:s2], [sflag:$0x3] =	stream.strided.gather [hbm4b:s0+s19], $0x400, s20, s19, $0x38;
	[tilespmem:$0x1E000] =	vst v63  }
0x7a: {  	s0 =	sadd.s32 $0x30, s1;
	s2 =	sadd.s32 $0x14C00, s8  }
0x7b: {  	[tilespmem:s2], [sflag:$0x3] =	stream.strided.gather [hbm4b:s0+s19], $0x400, s20, s19, $0x38;
	[tilespmem:$0x1E000] =	vst v63  }
0x7c: {  	s0 =	sadd.s32 $0x40, s1;
	s2 =	sadd.s32 $0x15000, s8  }
0x7d: {  	[tilespmem:s2], [sflag:$0x3] =	stream.strided.gather [hbm4b:s0+s19], $0x400, s20, s19, $0x38;
	[tilespmem:$0x1E000] =	vst v63  }
.Ltmp2:
0x7e: {  	s0 =	sadd.s32 $0x50, s1;
	s2 =	sadd.s32 $0x15400, s8;
	(pc) =	sbr.rel @p1 .LBB2_6-.Ltmp2, $4  }
0x7f: {  	[tilespmem:s2], [sflag:$0x3] =	stream.strided.gather [hbm4b:s0+s19], $0x400, s20, s19, $0x38;
	[tilespmem:$0x1E000] =	vst v63  }
0x80: {  	s0 =	sadd.s32 $0x60, s1;
	s2 =	sadd.s32 $0x15800, s8;
	s8 =	sadd.s32 $0x15C00, s8  }
0x81: {  	[tilespmem:s2], [sflag:$0x3] =	stream.strided.gather [hbm4b:s0+s19], $0x400, s20, s19, $0x38;
	[tilespmem:$0x1E000] =	vst v63  }
0x82: {  	s2 =	sadd.s32 $0x70, s1;
	s1 =	sadd.s32 $0x400, s1;
	s0 =	smov.u32 s10  }
0x83: {  	[tilespmem:s8], [sflag:$0x3] =	stream.strided.gather [hbm4b:s2+s19], $0x400, s20, s19, $0x38;
	[tilespmem:$0x1E000] =	vst v63  }
0x84: {  	s0 =	sadd.s32 $0x14000, s31  }
0x85: {  	[tilespmem:s0], [sflag:$0x3] =	stream.strided.gather [hbm4b:s1+s19], $0x400, s20, s19, $0x38;
	[tilespmem:$0x1E000] =	vst v63  }
0x86: {  	s8 =	sadd.s32 $0x10, s1;
	s10 =	sadd.s32 $0x14400, s31  }
0x87: {  	[tilespmem:s10], [sflag:$0x3] =	stream.strided.gather [hbm4b:s8+s19], $0x400, s20, s19, $0x38;
	[tilespmem:$0x1E000] =	vst v63  }
0x88: {  	s8 =	sadd.s32 $0x20, s1;
	s10 =	sadd.s32 $0x14800, s31  }
0x89: {  	[tilespmem:s10], [sflag:$0x3] =	stream.strided.gather [hbm4b:s8+s19], $0x400, s20, s19, $0x38;
	[tilespmem:$0x1E000] =	vst v63  }
0x8a: {  	s8 =	sadd.s32 $0x30, s1;
	s10 =	sadd.s32 $0x14C00, s31  }
0x8b: {  	[tilespmem:s10], [sflag:$0x3] =	stream.strided.gather [hbm4b:s8+s19], $0x400, s20, s19, $0x38;
	[tilespmem:$0x1E000] =	vst v63  }
0x8c: {  	s8 =	sadd.s32 $0x40, s1;
	s10 =	sadd.s32 $0x15000, s31  }
0x8d: {  	[tilespmem:s10], [sflag:$0x3] =	stream.strided.gather [hbm4b:s8+s19], $0x400, s20, s19, $0x38;
	[tilespmem:$0x1E000] =	vst v63  }
0x8e: {  	s8 =	sadd.s32 $0x50, s1;
	s10 =	sadd.s32 $0x15400, s31  }
0x8f: {  	[tilespmem:s10], [sflag:$0x3] =	stream.strided.gather [hbm4b:s8+s19], $0x400, s20, s19, $0x38;
	[tilespmem:$0x1E000] =	vst v63  }
0x90: {  	s8 =	sadd.s32 $0x60, s1;
	s10 =	sadd.s32 $0x15800, s31  }
0x91: {  	[tilespmem:s10], [sflag:$0x3] =	stream.strided.gather [hbm4b:s8+s19], $0x400, s20, s19, $0x38;
	[tilespmem:$0x1E000] =	vst v63  }
0x92: {  	s2 =	sadd.s32 $0x15C00, s31;
	s1 =	sadd.s32 $0x70, s1  }
0x93: {  	[tilespmem:s2], [sflag:$0x3] =	stream.strided.gather [hbm4b:s1+s19], $0x400, s20, s19, $0x38;
	[tilespmem:$0x1E000] =	vst v63  }
0x94: {  	s8 =	simm.s32 $0x0  }
0x95: {  	[hbm4b:s6+s8] =	stream.linear.scatter [tilespmem:s20], [sflag:$0x4], $0x9C00, $0x38;
	[tilespmem:$0x1E000] =	vst v63  }
0x96: {  	_ =	swait.ge [sflag:s22], $0xA000  }
0x97: {  	[sflag:s22] =	ssyncset.done $0x0  }
0x98: {  	[sflag:s22] =	ssyncadd.s32 $0xFFFF6000  }
0x99: {  	_ =	swait.ge [sflag:s23], $0x9C00  }
0x9a: {  	[sflag:s23] =	ssyncset.done $0x0  }
0x9b: {  	s10 =	simm.s32 $0x0;
	[sflag:s23] =	ssyncadd.s32 $0xFFFF6400  }
0x9c: {  	[tilespmem:s10], [sflag:$0x1] =	stream.strided.gather [hbm4b:s7+s19], $0x400, s20, s19, $0x38;
	[tilespmem:$0x1E000] =	vst v63  }
0x9d: {  	s1 =	sadd.s32 $0x10, s7;
	s2 =	simm.s32 $0x400  }
0x9e: {  	[tilespmem:s2], [sflag:$0x1] =	stream.strided.gather [hbm4b:s1+s19], $0x400, s20, s19, $0x38;
	[tilespmem:$0x1E000] =	vst v63  }
0x9f: {  	s8 =	sadd.s32 $0x20, s7;
	s10 =	simm.s32 $0x800  }
0xa0: {  	[tilespmem:s10], [sflag:$0x1] =	stream.strided.gather [hbm4b:s8+s19], $0x400, s20, s19, $0x38;
	[tilespmem:$0x1E000] =	vst v63  }
0xa1: {  	s0 =	sadd.s32 $0x70, s7;
	s1 =	sadd.s32 $0x30, s7;
	s2 =	simm.s32 $0xC00  }
0xa2: {  	[tilespmem:s2], [sflag:$0x1] =	stream.strided.gather [hbm4b:s1+s19], $0x400, s20, s19, $0x38;
	[tilespmem:$0x1E000] =	vst v63  }
0xa3: {  	s31 =	sadd.s32 $0x400, s7;
	s8 =	sadd.s32 $0x40, s7;
	s10 =	simm.s32 $0x1000  }
0xa4: {  	[tilespmem:s10], [sflag:$0x1] =	stream.strided.gather [hbm4b:s8+s19], $0x400, s20, s19, $0x38;
	[tilespmem:$0x1E000] =	vst v63  }
0xa5: {  	s1 =	sadd.s32 $0x50, s7;
	s2 =	simm.s32 $0x1400;
	s8 =	sadd.s32 $0x60, s7  }
0xa6: {  	[tilespmem:s2], [sflag:$0x1] =	stream.strided.gather [hbm4b:s1+s19], $0x400, s20, s19, $0x38;
	[tilespmem:$0x1E000] =	vst v63  }
0xa7: {  	s10 =	simm.s32 $0x1800;
	s1 =	simm.s32 $0x8000;
	s2 =	simm.s32 $0x1C00  }
0xa8: {  	[tilespmem:s10], [sflag:$0x1] =	stream.strided.gather [hbm4b:s8+s19], $0x400, s20, s19, $0x38;
	[tilespmem:$0x1E000] =	vst v63  }
.LBB2_8:
0xa9: {  	[tilespmem:s2], [sflag:$0x1] =	stream.strided.gather [hbm4b:s0+s19], $0x400, s20, s19, $0x38;
	[tilespmem:$0x1E000] =	vst v63  }
0xaa: {  	s2 =	sshra.s32 s1, $0x2;
	p1 =	sne.s32 s1, $0x20000;
	s1 =	sadd.s32 $0x8000, s1  }
0xab: {  	[tilespmem:s2], [sflag:$0x1] =	stream.strided.gather [hbm4b:s31+s19], $0x400, s20, s19, $0x38;
	[tilespmem:$0x1E000] =	vst v63  }
0xac: {  	s0 =	sadd.s32 $0x10, s31;
	s8 =	sadd.s32 $0x400, s2  }
0xad: {  	[tilespmem:s8], [sflag:$0x1] =	stream.strided.gather [hbm4b:s0+s19], $0x400, s20, s19, $0x38;
	[tilespmem:$0x1E000] =	vst v63  }
0xae: {  	s0 =	sadd.s32 $0x20, s31;
	s8 =	sadd.s32 $0x800, s2  }
0xaf: {  	[tilespmem:s8], [sflag:$0x1] =	stream.strided.gather [hbm4b:s0+s19], $0x400, s20, s19, $0x38;
	[tilespmem:$0x1E000] =	vst v63  }
0xb0: {  	s0 =	sadd.s32 $0x30, s31;
	s8 =	sadd.s32 $0xC00, s2  }
0xb1: {  	[tilespmem:s8], [sflag:$0x1] =	stream.strided.gather [hbm4b:s0+s19], $0x400, s20, s19, $0x38;
	[tilespmem:$0x1E000] =	vst v63  }
0xb2: {  	s0 =	sadd.s32 $0x40, s31;
	s8 =	sadd.s32 $0x1000, s2  }
0xb3: {  	[tilespmem:s8], [sflag:$0x1] =	stream.strided.gather [hbm4b:s0+s19], $0x400, s20, s19, $0x38;
	[tilespmem:$0x1E000] =	vst v63  }
.Ltmp3:
0xb4: {  	s0 =	sadd.s32 $0x50, s31;
	s8 =	sadd.s32 $0x1400, s2;
	(pc) =	sbr.rel @p1 .LBB2_8-.Ltmp3, $4  }
0xb5: {  	[tilespmem:s8], [sflag:$0x1] =	stream.strided.gather [hbm4b:s0+s19], $0x400, s20, s19, $0x38;
	[tilespmem:$0x1E000] =	vst v63  }
0xb6: {  	s0 =	sadd.s32 $0x60, s31;
	s8 =	sadd.s32 $0x1800, s2  }
0xb7: {  	[tilespmem:s8], [sflag:$0x1] =	stream.strided.gather [hbm4b:s0+s19], $0x400, s20, s19, $0x38;
	[tilespmem:$0x1E000] =	vst v63  }
0xb8: {  	s2 =	sadd.s32 $0x1C00, s2;
	s0 =	sadd.s32 $0x70, s31;
	s31 =	sadd.s32 $0x400, s31  }
0xb9: {  	[tilespmem:s2], [sflag:$0x1] =	stream.strided.gather [hbm4b:s0+s19], $0x400, s20, s19, $0x38;
	[tilespmem:$0x1E000] =	vst v63  }
0xba: {  	s8 =	simm.s32 $0x0;
	s1 =	rddreg [dreg:$0x3]  }
0xbb: {  	[hbm4b:s1+s8] =	stream.linear.scatter [tilespmem:s24], [sflag:$0x5], $0xA000, $0x38;
	[tilespmem:$0x1E000] =	vst v63  }
0xbc: {  	_ =	swait.ge [sflag:s25], $0xA000  }
0xbd: {  	[sflag:s25] =	ssyncset.done $0x0  }
0xbe: {  	[sflag:s25] =	ssyncadd.s32 $0xFFFF6000  }
0xbf: {  	_ =	swait.ge [sflag:s26], $0xA000  }
0xc0: {  	[sflag:s26] =	ssyncset.done $0x0  }
0xc1: {  	s10 =	simm.s32 $0xA000;
	[sflag:s26] =	ssyncadd.s32 $0xFFFF6000  }
0xc2: {  	[tilespmem:s10], [sflag:$0x2] =	stream.strided.gather [hbm4b:s9+s19], $0x400, s20, s19, $0x38;
	[tilespmem:$0x1E000] =	vst v63  }
0xc3: {  	s2 =	simm.s32 $0xA400;
	s1 =	sadd.s32 $0x10, s9  }
0xc4: {  	[tilespmem:s2], [sflag:$0x2] =	stream.strided.gather [hbm4b:s1+s19], $0x400, s20, s19, $0x38;
	[tilespmem:$0x1E000] =	vst v63  }
0xc5: {  	s8 =	sadd.s32 $0x20, s9;
	s10 =	simm.s32 $0xA800  }
0xc6: {  	[tilespmem:s10], [sflag:$0x2] =	stream.strided.gather [hbm4b:s8+s19], $0x400, s20, s19, $0x38;
	[tilespmem:$0x1E000] =	vst v63  }
0xc7: {  	s1 =	sadd.s32 $0x30, s9;
	s2 =	simm.s32 $0xAC00  }
0xc8: {  	[tilespmem:s2], [sflag:$0x2] =	stream.strided.gather [hbm4b:s1+s19], $0x400, s20, s19, $0x38;
	[tilespmem:$0x1E000] =	vst v63  }
0xc9: {  	s8 =	sadd.s32 $0x40, s9;
	s10 =	simm.s32 $0xB000  }
0xca: {  	[tilespmem:s10], [sflag:$0x2] =	stream.strided.gather [hbm4b:s8+s19], $0x400, s20, s19, $0x38;
	[tilespmem:$0x1E000] =	vst v63  }
0xcb: {  	s31 =	simm.s32 $0x2000;
	s1 =	sadd.s32 $0x50, s9;
	s2 =	simm.s32 $0xB400  }
0xcc: {  	[tilespmem:s2], [sflag:$0x2] =	stream.strided.gather [hbm4b:s1+s19], $0x400, s20, s19, $0x38;
	[tilespmem:$0x1E000] =	vst v63  }
0xcd: {  	s0 =	simm.s32 $0x10000;
	s8 =	sadd.s32 $0x60, s9;
	s10 =	simm.s32 $0xB800  }
0xce: {  	[tilespmem:s10], [sflag:$0x2] =	stream.strided.gather [hbm4b:s8+s19], $0x400, s20, s19, $0x38;
	[tilespmem:$0x1E000] =	vst v63  }
0xcf: {  	s2 =	sadd.s32 $0x70, s9;
	s1 =	sadd.s32 $0x400, s9;
	s8 =	simm.s32 $0xBC00  }
.LBB2_10:
0xd0: {  	[tilespmem:s8], [sflag:$0x2] =	stream.strided.gather [hbm4b:s2+s19], $0x400, s20, s19, $0x38;
	[tilespmem:$0x1E000] =	vst v63  }
0xd1: {  	s8 =	smov.u32 s31;
	s2 =	smov.u32 s0  }
0xd2: {  	s10 =	sadd.s32 $0x8000, s0;
	s31 =	sshra.s32 s2, $0x2;
	s2 =	sadd.s32 $0xA000, s8  }
0xd3: {  	[tilespmem:s2], [sflag:$0x2] =	stream.strided.gather [hbm4b:s1+s19], $0x400, s20, s19, $0x38;
	[tilespmem:$0x1E000] =	vst v63  }
0xd4: {  	p1 =	sne.s32 s0, $0x20000;
	s0 =	sadd.s32 $0x10, s1;
	s2 =	sadd.s32 $0xA400, s8  }
0xd5: {  	[tilespmem:s2], [sflag:$0x2] =	stream.strided.gather [hbm4b:s0+s19], $0x400, s20, s19, $0x38;
	[tilespmem:$0x1E000] =	vst v63  }
0xd6: {  	s0 =	sadd.s32 $0x20, s1;
	s2 =	sadd.s32 $0xA800, s8  }
0xd7: {  	[tilespmem:s2], [sflag:$0x2] =	stream.strided.gather [hbm4b:s0+s19], $0x400, s20, s19, $0x38;
	[tilespmem:$0x1E000] =	vst v63  }
0xd8: {  	s0 =	sadd.s32 $0x30, s1;
	s2 =	sadd.s32 $0xAC00, s8  }
0xd9: {  	[tilespmem:s2], [sflag:$0x2] =	stream.strided.gather [hbm4b:s0+s19], $0x400, s20, s19, $0x38;
	[tilespmem:$0x1E000] =	vst v63  }
0xda: {  	s0 =	sadd.s32 $0x40, s1;
	s2 =	sadd.s32 $0xB000, s8  }
0xdb: {  	[tilespmem:s2], [sflag:$0x2] =	stream.strided.gather [hbm4b:s0+s19], $0x400, s20, s19, $0x38;
	[tilespmem:$0x1E000] =	vst v63  }
.Ltmp4:
0xdc: {  	s0 =	sadd.s32 $0x50, s1;
	s2 =	sadd.s32 $0xB400, s8;
	(pc) =	sbr.rel @p1 .LBB2_10-.Ltmp4, $4  }
0xdd: {  	[tilespmem:s2], [sflag:$0x2] =	stream.strided.gather [hbm4b:s0+s19], $0x400, s20, s19, $0x38;
	[tilespmem:$0x1E000] =	vst v63  }
0xde: {  	s0 =	sadd.s32 $0x60, s1;
	s2 =	sadd.s32 $0xB800, s8;
	s8 =	sadd.s32 $0xBC00, s8  }
0xdf: {  	[tilespmem:s2], [sflag:$0x2] =	stream.strided.gather [hbm4b:s0+s19], $0x400, s20, s19, $0x38;
	[tilespmem:$0x1E000] =	vst v63  }
0xe0: {  	s2 =	sadd.s32 $0x70, s1;
	s1 =	sadd.s32 $0x400, s1;
	s0 =	smov.u32 s10  }
0xe1: {  	[tilespmem:s8], [sflag:$0x2] =	stream.strided.gather [hbm4b:s2+s19], $0x400, s20, s19, $0x38;
	[tilespmem:$0x1E000] =	vst v63  }
0xe2: {  	s0 =	sadd.s32 $0xA000, s31  }
0xe3: {  	[tilespmem:s0], [sflag:$0x2] =	stream.strided.gather [hbm4b:s1+s19], $0x400, s20, s19, $0x38;
	[tilespmem:$0x1E000] =	vst v63  }
0xe4: {  	s8 =	sadd.s32 $0x10, s1;
	s10 =	sadd.s32 $0xA400, s31  }
0xe5: {  	[tilespmem:s10], [sflag:$0x2] =	stream.strided.gather [hbm4b:s8+s19], $0x400, s20, s19, $0x38;
	[tilespmem:$0x1E000] =	vst v63  }
0xe6: {  	s8 =	sadd.s32 $0x20, s1;
	s10 =	sadd.s32 $0xA800, s31  }
0xe7: {  	[tilespmem:s10], [sflag:$0x2] =	stream.strided.gather [hbm4b:s8+s19], $0x400, s20, s19, $0x38;
	[tilespmem:$0x1E000] =	vst v63  }
0xe8: {  	s8 =	sadd.s32 $0x30, s1;
	s10 =	sadd.s32 $0xAC00, s31  }
0xe9: {  	[tilespmem:s10], [sflag:$0x2] =	stream.strided.gather [hbm4b:s8+s19], $0x400, s20, s19, $0x38;
	[tilespmem:$0x1E000] =	vst v63  }
0xea: {  	s8 =	sadd.s32 $0x40, s1;
	s10 =	sadd.s32 $0xB000, s31  }
0xeb: {  	[tilespmem:s10], [sflag:$0x2] =	stream.strided.gather [hbm4b:s8+s19], $0x400, s20, s19, $0x38;
	[tilespmem:$0x1E000] =	vst v63  }
0xec: {  	s8 =	sadd.s32 $0x50, s1;
	s10 =	sadd.s32 $0xB400, s31  }
0xed: {  	[tilespmem:s10], [sflag:$0x2] =	stream.strided.gather [hbm4b:s8+s19], $0x400, s20, s19, $0x38;
	[tilespmem:$0x1E000] =	vst v63  }
0xee: {  	s8 =	sadd.s32 $0x60, s1;
	s10 =	sadd.s32 $0xB800, s31  }
0xef: {  	[tilespmem:s10], [sflag:$0x2] =	stream.strided.gather [hbm4b:s8+s19], $0x400, s20, s19, $0x38;
	[tilespmem:$0x1E000] =	vst v63  }
0xf0: {  	s8 =	sadd.s32 $0x70, s1;
	s10 =	sadd.s32 $0xBC00, s31  }
0xf1: {  	[tilespmem:s10], [sflag:$0x2] =	stream.strided.gather [hbm4b:s8+s19], $0x400, s20, s19, $0x38;
	[tilespmem:$0x1E000] =	vst v63  }
0xf2: {  	s2 =	simm.s32 $0x0;
	s8 =	rddreg [dreg:$0x4]  }
0xf3: {  	[hbm4b:s8+s2] =	stream.linear.scatter [tilespmem:s28], [sflag:$0x6], $0xA000, $0x38;
	[tilespmem:$0x1E000] =	vst v63  }
0xf4: {  	_ =	swait.ge [sflag:s21], $0xA000  }
0xf5: {  	[sflag:s21] =	ssyncset.done $0x0  }
0xf6: {  	[sflag:s21] =	ssyncadd.s32 $0xFFFF6000  }
0xf7: {  	_ =	swait.ge [sflag:s29], $0xA000  }
0xf8: {  	[sflag:s29] =	ssyncset.done $0x0  }
0xf9: {  	s10 =	simm.s32 $0x14000;
	[sflag:s29] =	ssyncadd.s32 $0xFFFF6000  }
0xfa: {  	[tilespmem:s10], [sflag:$0x3] =	stream.strided.gather [hbm4b:s11+s19], $0x400, s20, s19, $0x38;
	[tilespmem:$0x1E000] =	vst v63  }
0xfb: {  	s1 =	sadd.s32 $0x10, s11;
	s2 =	simm.s32 $0x14400  }
0xfc: {  	[tilespmem:s2], [sflag:$0x3] =	stream.strided.gather [hbm4b:s1+s19], $0x400, s20, s19, $0x38;
	[tilespmem:$0x1E000] =	vst v63  }
0xfd: {  	s8 =	sadd.s32 $0x20, s11;
	s10 =	simm.s32 $0x14800  }
0xfe: {  	[tilespmem:s10], [sflag:$0x3] =	stream.strided.gather [hbm4b:s8+s19], $0x400, s20, s19, $0x38;
	[tilespmem:$0x1E000] =	vst v63  }
0xff: {  	s1 =	sadd.s32 $0x30, s11;
	s2 =	simm.s32 $0x14C00  }
0x100: {  	[tilespmem:s2], [sflag:$0x3] =	stream.strided.gather [hbm4b:s1+s19], $0x400, s20, s19, $0x38;
	[tilespmem:$0x1E000] =	vst v63  }
0x101: {  	s8 =	sadd.s32 $0x40, s11;
	s10 =	simm.s32 $0x15000  }
0x102: {  	[tilespmem:s10], [sflag:$0x3] =	stream.strided.gather [hbm4b:s8+s19], $0x400, s20, s19, $0x38;
	[tilespmem:$0x1E000] =	vst v63  }
0x103: {  	s0 =	simm.s32 $0x10000;
	s1 =	sadd.s32 $0x50, s11;
	s2 =	simm.s32 $0x15400  }
0x104: {  	[tilespmem:s2], [sflag:$0x3] =	stream.strided.gather [hbm4b:s1+s19], $0x400, s20, s19, $0x38;
	[tilespmem:$0x1E000] =	vst v63  }
0x105: {  	s31 =	simm.s32 $0x2000;
	s8 =	sadd.s32 $0x60, s11;
	s10 =	simm.s32 $0x15800  }
0x106: {  	[tilespmem:s10], [sflag:$0x3] =	stream.strided.gather [hbm4b:s8+s19], $0x400, s20, s19, $0x38;
	[tilespmem:$0x1E000] =	vst v63  }
0x107: {  	s2 =	sadd.s32 $0x70, s11;
	s1 =	sadd.s32 $0x400, s11;
	s8 =	simm.s32 $0x15C00  }
.LBB2_12:
0x108: {  	[tilespmem:s8], [sflag:$0x3] =	stream.strided.gather [hbm4b:s2+s19], $0x400, s20, s19, $0x38;
	[tilespmem:$0x1E000] =	vst v63  }
0x109: {  	s8 =	smov.u32 s31;
	s2 =	smov.u32 s0  }
0x10a: {  	s10 =	sadd.s32 $0x8000, s0;
	s31 =	sshra.s32 s2, $0x2;
	s2 =	sadd.s32 $0x14000, s8  }
0x10b: {  	[tilespmem:s2], [sflag:$0x3] =	stream.strided.gather [hbm4b:s1+s19], $0x400, s20, s19, $0x38;
	[tilespmem:$0x1E000] =	vst v63  }
0x10c: {  	p1 =	sne.s32 s0, $0x20000;
	s0 =	sadd.s32 $0x10, s1;
	s2 =	sadd.s32 $0x14400, s8  }
0x10d: {  	[tilespmem:s2], [sflag:$0x3] =	stream.strided.gather [hbm4b:s0+s19], $0x400, s20, s19, $0x38;
	[tilespmem:$0x1E000] =	vst v63  }
0x10e: {  	s0 =	sadd.s32 $0x20, s1;
	s2 =	sadd.s32 $0x14800, s8  }
0x10f: {  	[tilespmem:s2], [sflag:$0x3] =	stream.strided.gather [hbm4b:s0+s19], $0x400, s20, s19, $0x38;
	[tilespmem:$0x1E000] =	vst v63  }
0x110: {  	s0 =	sadd.s32 $0x30, s1;
	s2 =	sadd.s32 $0x14C00, s8  }
0x111: {  	[tilespmem:s2], [sflag:$0x3] =	stream.strided.gather [hbm4b:s0+s19], $0x400, s20, s19, $0x38;
	[tilespmem:$0x1E000] =	vst v63  }
0x112: {  	s0 =	sadd.s32 $0x40, s1;
	s2 =	sadd.s32 $0x15000, s8  }
0x113: {  	[tilespmem:s2], [sflag:$0x3] =	stream.strided.gather [hbm4b:s0+s19], $0x400, s20, s19, $0x38;
	[tilespmem:$0x1E000] =	vst v63  }
.Ltmp5:
0x114: {  	s0 =	sadd.s32 $0x50, s1;
	s2 =	sadd.s32 $0x15400, s8;
	(pc) =	sbr.rel @p1 .LBB2_12-.Ltmp5, $4  }
0x115: {  	[tilespmem:s2], [sflag:$0x3] =	stream.strided.gather [hbm4b:s0+s19], $0x400, s20, s19, $0x38;
	[tilespmem:$0x1E000] =	vst v63  }
0x116: {  	s0 =	sadd.s32 $0x60, s1;
	s2 =	sadd.s32 $0x15800, s8;
	s8 =	sadd.s32 $0x15C00, s8  }
0x117: {  	[tilespmem:s2], [sflag:$0x3] =	stream.strided.gather [hbm4b:s0+s19], $0x400, s20, s19, $0x38;
	[tilespmem:$0x1E000] =	vst v63  }
0x118: {  	s2 =	sadd.s32 $0x70, s1;
	s1 =	sadd.s32 $0x400, s1;
	s0 =	smov.u32 s10  }
0x119: {  	[tilespmem:s8], [sflag:$0x3] =	stream.strided.gather [hbm4b:s2+s19], $0x400, s20, s19, $0x38;
	[tilespmem:$0x1E000] =	vst v63  }
0x11a: {  	s0 =	sadd.s32 $0x14000, s31  }
0x11b: {  	[tilespmem:s0], [sflag:$0x3] =	stream.strided.gather [hbm4b:s1+s19], $0x400, s20, s19, $0x38;
	[tilespmem:$0x1E000] =	vst v63  }
0x11c: {  	s8 =	sadd.s32 $0x10, s1;
	s10 =	sadd.s32 $0x14400, s31  }
0x11d: {  	[tilespmem:s10], [sflag:$0x3] =	stream.strided.gather [hbm4b:s8+s19], $0x400, s20, s19, $0x38;
	[tilespmem:$0x1E000] =	vst v63  }
0x11e: {  	s8 =	sadd.s32 $0x20, s1;
	s10 =	sadd.s32 $0x14800, s31  }
0x11f: {  	[tilespmem:s10], [sflag:$0x3] =	stream.strided.gather [hbm4b:s8+s19], $0x400, s20, s19, $0x38;
	[tilespmem:$0x1E000] =	vst v63  }
0x120: {  	s8 =	sadd.s32 $0x30, s1;
	s10 =	sadd.s32 $0x14C00, s31  }
0x121: {  	[tilespmem:s10], [sflag:$0x3] =	stream.strided.gather [hbm4b:s8+s19], $0x400, s20, s19, $0x38;
	[tilespmem:$0x1E000] =	vst v63  }
0x122: {  	s8 =	sadd.s32 $0x40, s1;
	s10 =	sadd.s32 $0x15000, s31  }
0x123: {  	[tilespmem:s10], [sflag:$0x3] =	stream.strided.gather [hbm4b:s8+s19], $0x400, s20, s19, $0x38;
	[tilespmem:$0x1E000] =	vst v63  }
0x124: {  	s8 =	sadd.s32 $0x50, s1;
	s10 =	sadd.s32 $0x15400, s31  }
0x125: {  	[tilespmem:s10], [sflag:$0x3] =	stream.strided.gather [hbm4b:s8+s19], $0x400, s20, s19, $0x38;
	[tilespmem:$0x1E000] =	vst v63  }
0x126: {  	s8 =	sadd.s32 $0x60, s1;
	s10 =	sadd.s32 $0x15800, s31  }
0x127: {  	[tilespmem:s10], [sflag:$0x3] =	stream.strided.gather [hbm4b:s8+s19], $0x400, s20, s19, $0x38;
	[tilespmem:$0x1E000] =	vst v63  }
0x128: {  	s2 =	sadd.s32 $0x15C00, s31;
	s1 =	sadd.s32 $0x70, s1  }
0x129: {  	[tilespmem:s2], [sflag:$0x3] =	stream.strided.gather [hbm4b:s1+s19], $0x400, s20, s19, $0x38;
	[tilespmem:$0x1E000] =	vst v63  }
0x12a: {  	s8 =	simm.s32 $0x0  }
0x12b: {  	[hbm4b:s12+s8] =	stream.linear.scatter [tilespmem:s8], [sflag:$0x4], $0xA000, $0x38;
	[tilespmem:$0x1E000] =	vst v63  }
0x12c: {  	_ =	swait.ge [sflag:s22], $0xA000  }
0x12d: {  	[sflag:s22] =	ssyncset.done $0x0  }
0x12e: {  	[sflag:s22] =	ssyncadd.s32 $0xFFFF6000  }
0x12f: {  	_ =	swait.ge [sflag:s23], $0xA000  }
0x130: {  	[sflag:s23] =	ssyncset.done $0x0  }
0x131: {  	s10 =	simm.s32 $0x0;
	[sflag:s23] =	ssyncadd.s32 $0xFFFF6000  }
0x132: {  	[tilespmem:s10], [sflag:$0x1] =	stream.strided.gather [hbm4b:s13+s19], $0x400, s20, s19, $0x38;
	[tilespmem:$0x1E000] =	vst v63  }
0x133: {  	s1 =	sadd.s32 $0x10, s13;
	s2 =	simm.s32 $0x400  }
0x134: {  	[tilespmem:s2], [sflag:$0x1] =	stream.strided.gather [hbm4b:s1+s19], $0x400, s20, s19, $0x38;
	[tilespmem:$0x1E000] =	vst v63  }
0x135: {  	s8 =	sadd.s32 $0x20, s13;
	s10 =	simm.s32 $0x800  }
0x136: {  	[tilespmem:s10], [sflag:$0x1] =	stream.strided.gather [hbm4b:s8+s19], $0x400, s20, s19, $0x38;
	[tilespmem:$0x1E000] =	vst v63  }
0x137: {  	s0 =	sadd.s32 $0x70, s13;
	s1 =	sadd.s32 $0x30, s13;
	s2 =	simm.s32 $0xC00  }
0x138: {  	[tilespmem:s2], [sflag:$0x1] =	stream.strided.gather [hbm4b:s1+s19], $0x400, s20, s19, $0x38;
	[tilespmem:$0x1E000] =	vst v63  }
0x139: {  	s31 =	sadd.s32 $0x400, s13;
	s8 =	sadd.s32 $0x40, s13;
	s10 =	simm.s32 $0x1000  }
0x13a: {  	[tilespmem:s10], [sflag:$0x1] =	stream.strided.gather [hbm4b:s8+s19], $0x400, s20, s19, $0x38;
	[tilespmem:$0x1E000] =	vst v63  }
0x13b: {  	s1 =	sadd.s32 $0x50, s13;
	s2 =	simm.s32 $0x1400;
	s8 =	sadd.s32 $0x60, s13  }
0x13c: {  	[tilespmem:s2], [sflag:$0x1] =	stream.strided.gather [hbm4b:s1+s19], $0x400, s20, s19, $0x38;
	[tilespmem:$0x1E000] =	vst v63  }
0x13d: {  	s10 =	simm.s32 $0x1800;
	s1 =	simm.s32 $0x8000;
	s2 =	simm.s32 $0x1C00  }
0x13e: {  	[tilespmem:s10], [sflag:$0x1] =	stream.strided.gather [hbm4b:s8+s19], $0x400, s20, s19, $0x38;
	[tilespmem:$0x1E000] =	vst v63  }
.LBB2_14:
0x13f: {  	[tilespmem:s2], [sflag:$0x1] =	stream.strided.gather [hbm4b:s0+s19], $0x400, s20, s19, $0x38;
	[tilespmem:$0x1E000] =	vst v63  }
0x140: {  	s2 =	sshra.s32 s1, $0x2;
	p1 =	sne.s32 s1, $0x20000;
	s1 =	sadd.s32 $0x8000, s1  }
0x141: {  	[tilespmem:s2], [sflag:$0x1] =	stream.strided.gather [hbm4b:s31+s19], $0x400, s20, s19, $0x38;
	[tilespmem:$0x1E000] =	vst v63  }
0x142: {  	s0 =	sadd.s32 $0x10, s31;
	s8 =	sadd.s32 $0x400, s2  }
0x143: {  	[tilespmem:s8], [sflag:$0x1] =	stream.strided.gather [hbm4b:s0+s19], $0x400, s20, s19, $0x38;
	[tilespmem:$0x1E000] =	vst v63  }
0x144: {  	s0 =	sadd.s32 $0x20, s31;
	s8 =	sadd.s32 $0x800, s2  }
0x145: {  	[tilespmem:s8], [sflag:$0x1] =	stream.strided.gather [hbm4b:s0+s19], $0x400, s20, s19, $0x38;
	[tilespmem:$0x1E000] =	vst v63  }
0x146: {  	s0 =	sadd.s32 $0x30, s31;
	s8 =	sadd.s32 $0xC00, s2  }
0x147: {  	[tilespmem:s8], [sflag:$0x1] =	stream.strided.gather [hbm4b:s0+s19], $0x400, s20, s19, $0x38;
	[tilespmem:$0x1E000] =	vst v63  }
0x148: {  	s0 =	sadd.s32 $0x40, s31;
	s8 =	sadd.s32 $0x1000, s2  }
0x149: {  	[tilespmem:s8], [sflag:$0x1] =	stream.strided.gather [hbm4b:s0+s19], $0x400, s20, s19, $0x38;
	[tilespmem:$0x1E000] =	vst v63  }
.Ltmp6:
0x14a: {  	s0 =	sadd.s32 $0x50, s31;
	s8 =	sadd.s32 $0x1400, s2;
	(pc) =	sbr.rel @p1 .LBB2_14-.Ltmp6, $4  }
0x14b: {  	[tilespmem:s8], [sflag:$0x1] =	stream.strided.gather [hbm4b:s0+s19], $0x400, s20, s19, $0x38;
	[tilespmem:$0x1E000] =	vst v63  }
0x14c: {  	s0 =	sadd.s32 $0x60, s31;
	s8 =	sadd.s32 $0x1800, s2  }
0x14d: {  	[tilespmem:s8], [sflag:$0x1] =	stream.strided.gather [hbm4b:s0+s19], $0x400, s20, s19, $0x38;
	[tilespmem:$0x1E000] =	vst v63  }
0x14e: {  	s2 =	sadd.s32 $0x1C00, s2;
	s0 =	sadd.s32 $0x70, s31;
	s31 =	sadd.s32 $0x400, s31  }
0x14f: {  	[tilespmem:s2], [sflag:$0x1] =	stream.strided.gather [hbm4b:s0+s19], $0x400, s20, s19, $0x38;
	[tilespmem:$0x1E000] =	vst v63  }
0x150: {  	s31 =	simm.s32 $0x0  }
0x151: {  	[hbm4b:s14+s31] =	stream.linear.scatter [tilespmem:s24], [sflag:$0x5], $0xA000, $0x38;
	[tilespmem:$0x1E000] =	vst v63  }
0x152: {  	_ =	swait.ge [sflag:s25], $0xA000  }
0x153: {  	[sflag:s25] =	ssyncset.done $0x0  }
0x154: {  	[sflag:s25] =	ssyncadd.s32 $0xFFFF6000  }
0x155: {  	[hbm4b:s15+s31] =	stream.linear.scatter [tilespmem:s28], [sflag:$0x6], $0xA000, $0x38;
	[tilespmem:$0x1E000] =	vst v63  }
0x156: {  	_ =	swait.ge [sflag:s21], $0xA000  }
0x157: {  	[sflag:s21] =	ssyncset.done $0x0  }
0x158: {  	s0 =	simm.s32 @p0 $0x0;
	[sflag:s21] =	ssyncadd.s32 $0xFFFF6000  }
0x159: {  	[hbm4b:s17+s0] =	stream.linear.scatter @p0 [tilespmem:s0], [sflag:$0x4], $0x4000, $0x38;
	[tilespmem:$0x1E000] =	vst v63  }
0x15a: {  	s0 =	simm.s32 @!p0 $0x0  }
0x15b: {  	[hbm4b:s16+s0] =	stream.linear.scatter @!p0 [tilespmem:s0], [sflag:$0x4], $0x4400, $0x38;
	[tilespmem:$0x1E000] =	vst v63  }
0x15c: {  	_ =	swait.ge [sflag:s26], $0xA000  }
0x15d: {  	[sflag:s26] =	ssyncset.done $0x0  }
0x15e: {  	[sflag:s26] =	ssyncadd.s32 $0xFFFF6000  }
0x15f: {  	_ =	swait.ge [sflag:s29], $0xA000  }
0x160: {  	[sflag:s29] =	ssyncset.done $0x0  }
0x161: {  	s30 =	sadd.s32 $0x1, s30;
	s0 =	simm.s32 @p0 $0x4;
	[sflag:s29] =	ssyncadd.s32 $0xFFFF6000  }
0x162: {  	p1 =	sne.s32 s30, s18;
	_ =	swait.ge @p0 [sflag:s0], $0x4000  }
.Ltmp7:
0x163: {  	[sflag:s0] =	ssyncset.done @p0 $0x0;
	(pc) =	sbr.rel @p1 .LBB2_1-.Ltmp7, $4  }
0x164: {  	[sflag:s0] =	ssyncadd.s32 @p0 $0xFFFFC000;
	s0 =	simm.s32 @!p0 $0x4  }
0x165: {  	_ =	swait.ge @!p0 [sflag:s0], $0x4400  }
0x166: {  	[sflag:s0] =	ssyncset.done @!p0 $0x0  }
0x167: {  	[sflag:s0] =	ssyncadd.s32 @!p0 $0xFFFFBC00  }
0x168: {  	_ =	sfence.sel $0x180000  }
0x169: {  	[bflag:$0x0] =	sbarrier.arrive $0xFFFF  }
0x16a: {  	_ =	strace $0x90000047  }
0x16b: {  	s0 =	stileid.u32;
	[bflag:$0x2] =	sbarrier.arrive $0xFFFF  }
0x16c: {  	p0 =	sne.s32 s0, $0x0;
	s0 =	rddreg [dreg:$0x2]  }
0x16d: {  	s0 =	sadd.s32 @!p0 $0x100000, s0  }
0x16e: {  	[sflag:s0] =	ssyncadd.tile.s32 @!p0 $0x1;
	_ =	shalt  }
.Lfunc_end2:
_tile_overlayer_lowered:
.L_overlay_start_2:
0x16f: {  	(tag) =	ssettag $0x2  }
0x170: {  	s0 =	rddreg [dreg:$0x0];
	s2 =	stileid.u32  }
0x171: {  	s1 =	rddreg [dreg:$0x1];
	p0 =	sne.s32 s2, $0x0  }
0x172: {  	s3 =	rddreg [dreg:$0x2];
	[bflag:$0x3] =	sbarrier.arrive $0xFFFF;
	s2 =	simm.s32 @!p0 $0x1C07  }
0x173: {  	[timem:s3], [sflag:s2] =	dma.local @!p0 [hbm:s0], s1  }
0x174: {  	s0 =	simm.s32 @!p0 $0x7  }
0x175: {  	_ =	swait.ge @!p0 [sflag:s0], s1  }
0x176: {  	s1 =	ssub.s32 @!p0 $0x0, s1;
	[sflag:s0] =	ssyncset.done @!p0 $0x0  }
0x177: {  	[sflag:s0] =	ssyncadd.s32 @!p0 s1  }
0x178: {  	[bflag:$0x3] =	sbarrier.arrive $0xFFFF  }
0x179: {  	_ =	shalt  }

</sc_bundles>
